<compile_context>
chip_gen: v7x
topology: tpu7x:2x2x1
jax: 0.10.2.dev20260603
libtpu: 0.0.44.dev20260713+nightly
codegen_flags: <defaults>
</compile_context>

<pallas_src>
import functools

import jax
import jax.numpy as jnp
from jax import lax
from jax.experimental import pallas as pl
from jax.experimental.pallas import tpu as pltpu
from jax.experimental.pallas import tpu_sc as plsc

N = 10000
E = 320000
D = 128

NC = 2
NS = 16
NW = NC * NS
CB = 128
CH = 80
EP = NW * CH * CB
TOTCH = EP // CB
FC = 1
CF = 120
CS = 40
SG = 40
NP = 10112
RPS = NP // NS
TRASH = N
RB = 2528

_mesh = plsc.VectorSubcoreMesh(core_axis_name="c", subcore_axis_name="s")



@functools.partial(
    pl.kernel,
    out_type=jax.ShapeDtypeStruct((NC, NP, D), jnp.float32),
    mesh=_mesh,
    scratch_types=[
        pltpu.VMEM((CH, CB), jnp.int32),
        pltpu.VMEM((CB, D), jnp.float32),
        pltpu.VMEM_SHARED((NP, D), jnp.float32),
        pltpu.SemaphoreType.DMA,
    ],
)
def _deg_kernel(dst_hbm, ones_hbm, zero_hbm, out_hbm, dst_v, ones_v, acc, sem):
    cid = lax.axis_index("c")
    sid = lax.axis_index("s")
    wid = sid * NC + cid
    row = pl.ds(sid * RPS, RPS)
    pltpu.sync_copy(zero_hbm.at[row], acc.at[row])
    pltpu.sync_copy(dst_hbm.at[pl.ds(wid * CH, CH)], dst_v)
    pltpu.sync_copy(ones_hbm, ones_v)
    plsc.subcore_barrier()

    GK = 8

    def body(g, carry):
        for i in range(GK):
            pltpu.async_copy(ones_v, acc.at[dst_v.at[g * GK + i]], sem, add=True)
        for i in range(GK):
            pltpu.make_async_copy(ones_v, acc.at[dst_v.at[g * GK + i]], sem).wait()
        return carry

    lax.fori_loop(0, CH // GK, body, 0)
    plsc.subcore_barrier()
    pltpu.sync_copy(acc.at[row], out_hbm.at[cid, row])


@functools.partial(
    pl.kernel,
    out_type=jax.ShapeDtypeStruct((NC, NP, D), jnp.float32),
    mesh=_mesh,
    scratch_types=[
        pltpu.VMEM((SG, CB), jnp.int32),
        pltpu.VMEM((SG, CB), jnp.int32),
        pltpu.VMEM((CB, D), jnp.float32),
        pltpu.VMEM((CB, D), jnp.float32),
        pltpu.VMEM_SHARED((NP, D), jnp.float32),
        pltpu.SemaphoreType.DMA,
        pltpu.SemaphoreType.DMA,
    ],
)
def _agg_kernel(src_hbm, dst_hbm, xs_hbm, zero_hbm, out_hbm,
                src_v, dst_v, buf_a, buf_b, acc, gsem, ssem):
    cid = lax.axis_index("c")
    sid = lax.axis_index("s")
    row = pl.ds(sid * RPS, RPS)
    base = jnp.where(cid == FC, sid * CF, 16 * CF + sid * CS)
    nstages = jnp.where(cid == FC, CF // SG, CS // SG)
    pltpu.sync_copy(zero_hbm.at[row], acc.at[row])
    plsc.subcore_barrier()

    def gather(j, buf):
        pltpu.async_copy(xs_hbm.at[src_v.at[j]], buf, gsem)

    def gather_wait(buf):
        pltpu.make_async_copy(xs_hbm.at[src_v.at[0]], buf, gsem).wait()

    def scat(j, buf):
        pltpu.async_copy(buf, acc.at[dst_v.at[j]], ssem, add=True)

    def scat_wait(buf):
        pltpu.make_async_copy(buf, acc.at[dst_v.at[0]], ssem).wait()

    def stage(h, carry):
        pltpu.sync_copy(src_hbm.at[pl.ds(base + h * SG, SG)], src_v)
        pltpu.sync_copy(dst_hbm.at[pl.ds(base + h * SG, SG)], dst_v)
        gather(0, buf_a)

        def body(k, inner):
            j0 = 2 * k
            gather_wait(buf_a)

            @pl.when(k > 0)
            def _():
                scat_wait(buf_b)

            gather(j0 + 1, buf_b)
            scat(j0, buf_a)
            gather_wait(buf_b)
            scat_wait(buf_a)

            @pl.when(k < SG // 2 - 1)
            def _():
                gather(j0 + 2, buf_a)

            scat(j0 + 1, buf_b)
            return inner

        lax.fori_loop(0, SG // 2, body, 0)
        scat_wait(buf_b)
        return carry

    lax.fori_loop(0, nstages, stage, 0)
    plsc.subcore_barrier()
    pltpu.sync_copy(acc.at[row], out_hbm.at[cid, row])



def _prep_body(deg_ref, x_ref, dinv_ref, xs_ref):
    d = deg_ref[0] + deg_ref[1] + 1.0
    dinvb = lax.rsqrt(jnp.maximum(d, 1.0))
    dinv_ref[...] = dinvb
    xs_ref[...] = dinvb * x_ref[...]


def _prep_call(deg_parts, xpad):
    return pl.pallas_call(
        _prep_body,
        grid=(NP // RB,),
        in_specs=[
            pl.BlockSpec((NC, RB, D), lambda i: (0, i, 0)),
            pl.BlockSpec((RB, D), lambda i: (i, 0)),
        ],
        out_specs=[
            pl.BlockSpec((RB, D), lambda i: (i, 0)),
            pl.BlockSpec((RB, D), lambda i: (i, 0)),
        ],
        out_shape=[
            jax.ShapeDtypeStruct((NP, D), jnp.float32),
            jax.ShapeDtypeStruct((NP, D), jnp.float32),
        ],
    )(deg_parts, xpad)


def _lin1_body(p_ref, xs_ref, dinv_ref, w_ref, b_ref, h_ref, sh_ref):
    dinv = dinv_ref[...]
    pre = dinv * (p_ref[0] + p_ref[1] + xs_ref[...])
    h = jnp.dot(pre, w_ref[...], preferred_element_type=jnp.float32)
    h = jnp.maximum(h + b_ref[...], 0.0)
    h_ref[...] = h
    sh_ref[...] = dinv * h


def _lin1_call(p, xs, dinvb, W1, b1):
    return pl.pallas_call(
        _lin1_body,
        grid=(NP // RB,),
        in_specs=[
            pl.BlockSpec((NC, RB, D), lambda i: (0, i, 0)),
            pl.BlockSpec((RB, D), lambda i: (i, 0)),
            pl.BlockSpec((RB, D), lambda i: (i, 0)),
            pl.BlockSpec((D, D), lambda i: (0, 0)),
            pl.BlockSpec((1, D), lambda i: (0, 0)),
        ],
        out_specs=[
            pl.BlockSpec((RB, D), lambda i: (i, 0)),
            pl.BlockSpec((RB, D), lambda i: (i, 0)),
        ],
        out_shape=[
            jax.ShapeDtypeStruct((NP, D), jnp.float32),
            jax.ShapeDtypeStruct((NP, D), jnp.float32),
        ],
    )(p, xs, dinvb, W1, b1)


def _lin2_body(p_ref, sh_ref, dinv_ref, w_ref, b_ref, out_ref):
    pre = dinv_ref[...] * (p_ref[0] + p_ref[1] + sh_ref[...])
    out = jnp.dot(pre, w_ref[...], preferred_element_type=jnp.float32)
    out_ref[...] = out + b_ref[...]


def _lin2_call(p, sh, dinvb, Wcat, bcat):
    return pl.pallas_call(
        _lin2_body,
        grid=(NP // RB,),
        in_specs=[
            pl.BlockSpec((NC, RB, D), lambda i: (0, i, 0)),
            pl.BlockSpec((RB, D), lambda i: (i, 0)),
            pl.BlockSpec((RB, D), lambda i: (i, 0)),
            pl.BlockSpec((D, D), lambda i: (0, 0)),
            pl.BlockSpec((1, D), lambda i: (0, 0)),
        ],
        out_specs=pl.BlockSpec((RB, D), lambda i: (i, 0)),
        out_shape=jax.ShapeDtypeStruct((NP, D), jnp.float32),
    )(p, sh, dinvb, Wcat, bcat)



def kernel(x, edge_index, W1, b1, W_mu, b_mu, W_ls, b_ls):
    src = edge_index[0]
    dst = edge_index[1]
    pad = EP - E
    srcp = jnp.concatenate([src, jnp.zeros((pad,), jnp.int32)]).reshape(TOTCH, CB)
    dstp = jnp.concatenate([dst, jnp.full((pad,), TRASH, jnp.int32)]).reshape(TOTCH, CB)
    onesD = jnp.ones((CB, D), jnp.float32)
    zeroD = jnp.zeros((NP, D), jnp.float32)
    xpad = jnp.pad(x, ((0, NP - N), (0, 0)))

    deg_parts = _deg_kernel(dstp, onesD, zeroD)
    dinvb, xs = _prep_call(deg_parts, xpad)
    p1 = _agg_kernel(srcp, dstp, xs, zeroD)
    h, sh = _lin1_call(p1, xs, dinvb, W1, b1.reshape(1, D))
    p2 = _agg_kernel(srcp, dstp, sh, zeroD)
    Wcat = jnp.concatenate([W_mu, W_ls], axis=1)
    bcat = jnp.concatenate([b_mu, b_ls]).reshape(1, D)
    out = _lin2_call(p2, sh, dinvb, Wcat, bcat)
    return out[:N, :64], out[:N, 64:]

# --- scband reference (transcript-rebuilt; emitter-appended) ---
"""Pipeline reference for scband-encoder-30751965839570 (READ-ONLY COPY).

The authoritative reference and input builder live on the scoring server;
editing this copy changes nothing except your own understanding.
"""

import jax, jax.numpy as jnp
import numpy as np

N = 10000
E = 320000
D_IN = 128
D_HID = 128  # 2 * out_channels
D_OUT = 64


def setup_inputs(seed: int = 0) -> dict:
    key = jax.random.key(seed)
    ks = jax.random.split(key, 8)
    x = jax.random.normal(ks[0], (N, D_IN), dtype=jnp.float32)
    edge_index = jax.random.randint(ks[1], (2, E), 0, N, dtype=jnp.int32)
    # GCNConv learned parameters (glorot-ish scaling)
    W1 = jax.random.normal(ks[2], (D_IN, D_HID), dtype=jnp.float32) * (1.0 / np.sqrt(D_IN))
    b1 = jnp.zeros((D_HID,), dtype=jnp.float32)
    W_mu = jax.random.normal(ks[3], (D_HID, D_OUT), dtype=jnp.float32) * (1.0 / np.sqrt(D_HID))
    b_mu = jnp.zeros((D_OUT,), dtype=jnp.float32)
    W_ls = jax.random.normal(ks[4], (D_HID, D_OUT), dtype=jnp.float32) * (1.0 / np.sqrt(D_HID))
    b_ls = jnp.zeros((D_OUT,), dtype=jnp.float32)
    return {"x": x, "edge_index": edge_index, "W1": W1, "b1": b1,
            "W_mu": W_mu, "b_mu": b_mu, "W_ls": W_ls, "b_ls": b_ls}


def _gcn_layer(x, src, dst, W, b):
    # GCNConv: x @ W, then symmetric-normalized scatter-add aggregation
    h = x @ W
    deg = jnp.zeros((N,), dtype=x.dtype).at[dst].add(1.0)
    dinv = 1.0 / jnp.sqrt(jnp.maximum(deg, 1.0))
    norm = dinv[src] * dinv[dst]
    msg = h[src] * norm[:, None]
    out = jax.ops.segment_sum(msg, dst, num_segments=N)
    return out + b


def reference(x, edge_index, W1, b1, W_mu, b_mu, W_ls, b_ls):
    # dropout p=0.0 -> identity (deterministic)
    loops = jnp.arange(N, dtype=edge_index.dtype)
    src = jnp.concatenate([edge_index[0], loops])
    dst = jnp.concatenate([edge_index[1], loops])
    h = jax.nn.relu(_gcn_layer(x, src, dst, W1, b1))
    mu = _gcn_layer(h, src, dst, W_mu, b_mu)
    logstd = _gcn_layer(h, src, dst, W_ls, b_ls)
    return (mu, logstd)

if __name__ == "__main__":
    import jax
    _d = setup_inputs()
    print(jax.jit(kernel)(*tuple(_d.values())))

</pallas_src>

<mosaic_0001>
#map = affine_map<(d0, d1) -> (0, 0)>
#map1 = affine_map<(d0, d1) -> (0, 0, 0)>
module attributes {stable_mosaic.version = 14 : i64} {
  func.func @_deg_kernel(%arg0: i32, %arg1: i32, %arg2: memref<2560x128xi32, #tpu.memory_space<hbm>>, %arg3: memref<128x128xf32, #tpu.memory_space<hbm>>, %arg4: memref<10112x128xf32, #tpu.memory_space<hbm>>, %arg5: memref<2x10112x128xf32, #tpu.memory_space<hbm>>, %arg6: memref<80x128xi32, #tpu.memory_space<vmem>>, %arg7: memref<128x128xf32, #tpu.memory_space<vmem>>, %arg8: memref<10112x128xf32, #tpu.memory_space<vmem_shared>>, %arg9: memref<!tpu.dma_semaphore, #tpu.memory_space<semaphore_mem>>) attributes {dimension_semantics = [#tpu.dimension_semantics<core_parallel>, #tpu.dimension_semantics<subcore_parallel>], iteration_bounds = array<i64: 2, 16>, scalar_prefetch = 0 : i64, scratch_operands = 4 : i64, tpu.core_type = #tpu.core_type<sc_vector_subcore>, window_params = [{transform_indices = #map}, {transform_indices = #map}, {transform_indices = #map}, {transform_indices = #map1}]} {
    %mul3A = arith.constant 2 : i32
    %mul3A_0 = arith.muli %arg1, %mul3A : i32
    %add3A = arith.addi %mul3A_0, %arg0 : i32
    %mul3A_1 = arith.constant 632 : i32
    %mul3A_2 = arith.muli %arg1, %mul3A_1 : i32
    "tpu.region"() ({
      %run_scoped3A = tpu.sem_alloc : memref<!tpu.dma_semaphore, #tpu.memory_space<semaphore_mem>>
      %dma_start3A = arith.constant 0 : i32
      %dma_start3A_11 = tpu.memref_slice %arg8[%mul3A_2, %dma_start3A] : memref<10112x128xf32, #tpu.memory_space<vmem_shared>> -> memref<632x128xf32, #tpu.memory_space<vmem_shared>>
      %dma_start3A_12 = arith.constant 0 : i32
      %dma_start3A_13 = tpu.memref_slice %arg4[%mul3A_2, %dma_start3A_12] : memref<10112x128xf32, #tpu.memory_space<hbm>> -> memref<632x128xf32, #tpu.memory_space<hbm>>
      tpu.enqueue_dma source(%dma_start3A_13 : memref<632x128xf32, #tpu.memory_space<hbm>>) target(%dma_start3A_11 : memref<632x128xf32, #tpu.memory_space<vmem_shared>>) target_semaphore(%run_scoped3A : memref<!tpu.dma_semaphore, #tpu.memory_space<semaphore_mem>>)
      %dma_wait3A = arith.constant 0 : i32
      %dma_wait3A_14 = tpu.memref_slice %arg8[%mul3A_2, %dma_wait3A] : memref<10112x128xf32, #tpu.memory_space<vmem_shared>> -> memref<632x128xf32, #tpu.memory_space<vmem_shared>>
      %dma_wait3A_15 = arith.constant 0 : i32
      %dma_wait3A_16 = tpu.memref_slice %arg4[%mul3A_2, %dma_wait3A_15] : memref<10112x128xf32, #tpu.memory_space<hbm>> -> memref<632x128xf32, #tpu.memory_space<hbm>>
      tpu.wait_dma2 semaphore(%run_scoped3A : memref<!tpu.dma_semaphore, #tpu.memory_space<semaphore_mem>>) src(%dma_wait3A_16 : memref<632x128xf32, #tpu.memory_space<hbm>>) dst(%dma_wait3A_14 : memref<632x128xf32, #tpu.memory_space<vmem_shared>>)
      tpu.yield
    }) : () -> ()
    %mul3A_3 = arith.constant 80 : i32
    %mul3A_4 = arith.muli %add3A, %mul3A_3 : i32
    "tpu.region"() ({
      %run_scoped3A = tpu.sem_alloc : memref<!tpu.dma_semaphore, #tpu.memory_space<semaphore_mem>>
      %dma_start3A = arith.constant 0 : i32
      %dma_start3A_11 = tpu.memref_slice %arg2[%mul3A_4, %dma_start3A] : memref<2560x128xi32, #tpu.memory_space<hbm>> -> memref<80x128xi32, #tpu.memory_space<hbm>>
      %dma_start3A_12 = arith.constant 0 : i32
      %dma_start3A_13 = tpu.memref_slice %arg2[%mul3A_4, %dma_start3A_12] : memref<2560x128xi32, #tpu.memory_space<hbm>> -> memref<80x128xi32, #tpu.memory_space<hbm>>
      tpu.enqueue_dma source(%dma_start3A_13 : memref<80x128xi32, #tpu.memory_space<hbm>>) target(%arg6 : memref<80x128xi32, #tpu.memory_space<vmem>>) target_semaphore(%run_scoped3A : memref<!tpu.dma_semaphore, #tpu.memory_space<semaphore_mem>>)
      %dma_wait3A = arith.constant 0 : i32
      %dma_wait3A_14 = tpu.memref_slice %arg2[%mul3A_4, %dma_wait3A] : memref<2560x128xi32, #tpu.memory_space<hbm>> -> memref<80x128xi32, #tpu.memory_space<hbm>>
      %dma_wait3A_15 = arith.constant 0 : i32
      %dma_wait3A_16 = tpu.memref_slice %arg2[%mul3A_4, %dma_wait3A_15] : memref<2560x128xi32, #tpu.memory_space<hbm>> -> memref<80x128xi32, #tpu.memory_space<hbm>>
      tpu.wait_dma2 semaphore(%run_scoped3A : memref<!tpu.dma_semaphore, #tpu.memory_space<semaphore_mem>>) src(%dma_wait3A_16 : memref<80x128xi32, #tpu.memory_space<hbm>>) dst(%arg6 : memref<80x128xi32, #tpu.memory_space<vmem>>)
      tpu.yield
    }) : () -> ()
    "tpu.region"() ({
      %run_scoped3A = tpu.sem_alloc : memref<!tpu.dma_semaphore, #tpu.memory_space<semaphore_mem>>
      tpu.enqueue_dma source(%arg3 : memref<128x128xf32, #tpu.memory_space<hbm>>) target(%arg7 : memref<128x128xf32, #tpu.memory_space<vmem>>) target_semaphore(%run_scoped3A : memref<!tpu.dma_semaphore, #tpu.memory_space<semaphore_mem>>)
      tpu.wait_dma2 semaphore(%run_scoped3A : memref<!tpu.dma_semaphore, #tpu.memory_space<semaphore_mem>>) src(%arg3 : memref<128x128xf32, #tpu.memory_space<hbm>>) dst(%arg7 : memref<128x128xf32, #tpu.memory_space<vmem>>)
      tpu.yield
    }) : () -> ()
    %barrier3A = arith.constant 0 : index
    tpu.barrier barrier_id(%barrier3A)
    %scan3A = arith.constant 0 : i32
    %scan3A_5 = arith.constant 0 : i32
    %scan3A_6 = arith.constant 10 : i32
    %scan3A_7 = arith.addi %scan3A_5, %scan3A_6 : i32
    %scan3A_8 = arith.constant 1 : i32
    scf.for %scan3A_11 = %scan3A_5 to %scan3A_7 step %scan3A_8  : i32 {
      %mul3A_12 = arith.constant 8 : i32
      %mul3A_13 = arith.muli %scan3A_11, %mul3A_12 : i32
      %add3A_14 = arith.constant 0 : i32
      %add3A_15 = arith.addi %mul3A_13, %add3A_14 : i32
      %dma_start3A = arith.constant 0 : i32
      %dma_start3A_16 = tpu.memref_slice %arg6[%add3A_15, %dma_start3A] : memref<80x128xi32, #tpu.memory_space<vmem>> -> memref<1x128xi32, #tpu.memory_space<vmem>>
      %dma_start3A_17 = tpu.memref_squeeze %dma_start3A_16 : memref<1x128xi32, #tpu.memory_space<vmem>> -> memref<128xi32, #tpu.memory_space<vmem>>
      %dma_start3A_18 = arith.constant 0 : i32
      %dma_start3A_19 = arith.constant 0 : i32
      %dma_start3A_20 = tpu.memref_slice %arg8[%dma_start3A_18, %dma_start3A_19] : memref<10112x128xf32, #tpu.memory_space<vmem_shared>> -> memref<10112x128xf32, #tpu.memory_space<vmem_shared>>
      tpu.enqueue_indirect_dma source(%arg7 : memref<128x128xf32, #tpu.memory_space<vmem>>) target(%dma_start3A_20 : memref<10112x128xf32, #tpu.memory_space<vmem_shared>>) offsets(%dma_start3A_17 : memref<128xi32, #tpu.memory_space<vmem>>) semaphore(%arg9 : memref<!tpu.dma_semaphore, #tpu.memory_space<semaphore_mem>>) {add = true}
      %mul3A_21 = arith.constant 8 : i32
      %mul3A_22 = arith.muli %scan3A_11, %mul3A_21 : i32
      %add3A_23 = arith.constant 1 : i32
      %add3A_24 = arith.addi %mul3A_22, %add3A_23 : i32
      %dma_start3A_25 = arith.constant 0 : i32
      %dma_start3A_26 = tpu.memref_slice %arg6[%add3A_24, %dma_start3A_25] : memref<80x128xi32, #tpu.memory_space<vmem>> -> memref<1x128xi32, #tpu.memory_space<vmem>>
      %dma_start3A_27 = tpu.memref_squeeze %dma_start3A_26 : memref<1x128xi32, #tpu.memory_space<vmem>> -> memref<128xi32, #tpu.memory_space<vmem>>
      %dma_start3A_28 = arith.constant 0 : i32
      %dma_start3A_29 = arith.constant 0 : i32
      %dma_start3A_30 = tpu.memref_slice %arg8[%dma_start3A_28, %dma_start3A_29] : memref<10112x128xf32, #tpu.memory_space<vmem_shared>> -> memref<10112x128xf32, #tpu.memory_space<vmem_shared>>
      tpu.enqueue_indirect_dma source(%arg7 : memref<128x128xf32, #tpu.memory_space<vmem>>) target(%dma_start3A_30 : memref<10112x128xf32, #tpu.memory_space<vmem_shared>>) offsets(%dma_start3A_27 : memref<128xi32, #tpu.memory_space<vmem>>) semaphore(%arg9 : memref<!tpu.dma_semaphore, #tpu.memory_space<semaphore_mem>>) {add = true}
      %mul3A_31 = arith.constant 8 : i32
      %mul3A_32 = arith.muli %scan3A_11, %mul3A_31 : i32
      %add3A_33 = arith.constant 2 : i32
      %add3A_34 = arith.addi %mul3A_32, %add3A_33 : i32
      %dma_start3A_35 = arith.constant 0 : i32
      %dma_start3A_36 = tpu.memref_slice %arg6[%add3A_34, %dma_start3A_35] : memref<80x128xi32, #tpu.memory_space<vmem>> -> memref<1x128xi32, #tpu.memory_space<vmem>>
      %dma_start3A_37 = tpu.memref_squeeze %dma_start3A_36 : memref<1x128xi32, #tpu.memory_space<vmem>> -> memref<128xi32, #tpu.memory_space<vmem>>
      %dma_start3A_38 = arith.constant 0 : i32
      %dma_start3A_39 = arith.constant 0 : i32
      %dma_start3A_40 = tpu.memref_slice %arg8[%dma_start3A_38, %dma_start3A_39] : memref<10112x128xf32, #tpu.memory_space<vmem_shared>> -> memref<10112x128xf32, #tpu.memory_space<vmem_shared>>
      tpu.enqueue_indirect_dma source(%arg7 : memref<128x128xf32, #tpu.memory_space<vmem>>) target(%dma_start3A_40 : memref<10112x128xf32, #tpu.memory_space<vmem_shared>>) offsets(%dma_start3A_37 : memref<128xi32, #tpu.memory_space<vmem>>) semaphore(%arg9 : memref<!tpu.dma_semaphore, #tpu.memory_space<semaphore_mem>>) {add = true}
      %mul3A_41 = arith.constant 8 : i32
      %mul3A_42 = arith.muli %scan3A_11, %mul3A_41 : i32
      %add3A_43 = arith.constant 3 : i32
      %add3A_44 = arith.addi %mul3A_42, %add3A_43 : i32
      %dma_start3A_45 = arith.constant 0 : i32
      %dma_start3A_46 = tpu.memref_slice %arg6[%add3A_44, %dma_start3A_45] : memref<80x128xi32, #tpu.memory_space<vmem>> -> memref<1x128xi32, #tpu.memory_space<vmem>>
      %dma_start3A_47 = tpu.memref_squeeze %dma_start3A_46 : memref<1x128xi32, #tpu.memory_space<vmem>> -> memref<128xi32, #tpu.memory_space<vmem>>
      %dma_start3A_48 = arith.constant 0 : i32
      %dma_start3A_49 = arith.constant 0 : i32
      %dma_start3A_50 = tpu.memref_slice %arg8[%dma_start3A_48, %dma_start3A_49] : memref<10112x128xf32, #tpu.memory_space<vmem_shared>> -> memref<10112x128xf32, #tpu.memory_space<vmem_shared>>
      tpu.enqueue_indirect_dma source(%arg7 : memref<128x128xf32, #tpu.memory_space<vmem>>) target(%dma_start3A_50 : memref<10112x128xf32, #tpu.memory_space<vmem_shared>>) offsets(%dma_start3A_47 : memref<128xi32, #tpu.memory_space<vmem>>) semaphore(%arg9 : memref<!tpu.dma_semaphore, #tpu.memory_space<semaphore_mem>>) {add = true}
      %mul3A_51 = arith.constant 8 : i32
      %mul3A_52 = arith.muli %scan3A_11, %mul3A_51 : i32
      %add3A_53 = arith.constant 4 : i32
      %add3A_54 = arith.addi %mul3A_52, %add3A_53 : i32
      %dma_start3A_55 = arith.constant 0 : i32
      %dma_start3A_56 = tpu.memref_slice %arg6[%add3A_54, %dma_start3A_55] : memref<80x128xi32, #tpu.memory_space<vmem>> -> memref<1x128xi32, #tpu.memory_space<vmem>>
      %dma_start3A_57 = tpu.memref_squeeze %dma_start3A_56 : memref<1x128xi32, #tpu.memory_space<vmem>> -> memref<128xi32, #tpu.memory_space<vmem>>
      %dma_start3A_58 = arith.constant 0 : i32
      %dma_start3A_59 = arith.constant 0 : i32
      %dma_start3A_60 = tpu.memref_slice %arg8[%dma_start3A_58, %dma_start3A_59] : memref<10112x128xf32, #tpu.memory_space<vmem_shared>> -> memref<10112x128xf32, #tpu.memory_space<vmem_shared>>
      tpu.enqueue_indirect_dma source(%arg7 : memref<128x128xf32, #tpu.memory_space<vmem>>) target(%dma_start3A_60 : memref<10112x128xf32, #tpu.memory_space<vmem_shared>>) offsets(%dma_start3A_57 : memref<128xi32, #tpu.memory_space<vmem>>) semaphore(%arg9 : memref<!tpu.dma_semaphore, #tpu.memory_space<semaphore_mem>>) {add = true}
      %mul3A_61 = arith.constant 8 : i32
      %mul3A_62 = arith.muli %scan3A_11, %mul3A_61 : i32
      %add3A_63 = arith.constant 5 : i32
      %add3A_64 = arith.addi %mul3A_62, %add3A_63 : i32
      %dma_start3A_65 = arith.constant 0 : i32
      %dma_start3A_66 = tpu.memref_slice %arg6[%add3A_64, %dma_start3A_65] : memref<80x128xi32, #tpu.memory_space<vmem>> -> memref<1x128xi32, #tpu.memory_space<vmem>>
      %dma_start3A_67 = tpu.memref_squeeze %dma_start3A_66 : memref<1x128xi32, #tpu.memory_space<vmem>> -> memref<128xi32, #tpu.memory_space<vmem>>
      %dma_start3A_68 = arith.constant 0 : i32
      %dma_start3A_69 = arith.constant 0 : i32
      %dma_start3A_70 = tpu.memref_slice %arg8[%dma_start3A_68, %dma_start3A_69] : memref<10112x128xf32, #tpu.memory_space<vmem_shared>> -> memref<10112x128xf32, #tpu.memory_space<vmem_shared>>
      tpu.enqueue_indirect_dma source(%arg7 : memref<128x128xf32, #tpu.memory_space<vmem>>) target(%dma_start3A_70 : memref<10112x128xf32, #tpu.memory_space<vmem_shared>>) offsets(%dma_start3A_67 : memref<128xi32, #tpu.memory_space<vmem>>) semaphore(%arg9 : memref<!tpu.dma_semaphore, #tpu.memory_space<semaphore_mem>>) {add = true}
      %mul3A_71 = arith.constant 8 : i32
      %mul3A_72 = arith.muli %scan3A_11, %mul3A_71 : i32
      %add3A_73 = arith.constant 6 : i32
      %add3A_74 = arith.addi %mul3A_72, %add3A_73 : i32
      %dma_start3A_75 = arith.constant 0 : i32
      %dma_start3A_76 = tpu.memref_slice %arg6[%add3A_74, %dma_start3A_75] : memref<80x128xi32, #tpu.memory_space<vmem>> -> memref<1x128xi32, #tpu.memory_space<vmem>>
      %dma_start3A_77 = tpu.memref_squeeze %dma_start3A_76 : memref<1x128xi32, #tpu.memory_space<vmem>> -> memref<128xi32, #tpu.memory_space<vmem>>
      %dma_start3A_78 = arith.constant 0 : i32
      %dma_start3A_79 = arith.constant 0 : i32
      %dma_start3A_80 = tpu.memref_slice %arg8[%dma_start3A_78, %dma_start3A_79] : memref<10112x128xf32, #tpu.memory_space<vmem_shared>> -> memref<10112x128xf32, #tpu.memory_space<vmem_shared>>
      tpu.enqueue_indirect_dma source(%arg7 : memref<128x128xf32, #tpu.memory_space<vmem>>) target(%dma_start3A_80 : memref<10112x128xf32, #tpu.memory_space<vmem_shared>>) offsets(%dma_start3A_77 : memref<128xi32, #tpu.memory_space<vmem>>) semaphore(%arg9 : memref<!tpu.dma_semaphore, #tpu.memory_space<semaphore_mem>>) {add = true}
      %mul3A_81 = arith.constant 8 : i32
      %mul3A_82 = arith.muli %scan3A_11, %mul3A_81 : i32
      %add3A_83 = arith.constant 7 : i32
      %add3A_84 = arith.addi %mul3A_82, %add3A_83 : i32
      %dma_start3A_85 = arith.constant 0 : i32
      %dma_start3A_86 = tpu.memref_slice %arg6[%add3A_84, %dma_start3A_85] : memref<80x128xi32, #tpu.memory_space<vmem>> -> memref<1x128xi32, #tpu.memory_space<vmem>>
      %dma_start3A_87 = tpu.memref_squeeze %dma_start3A_86 : memref<1x128xi32, #tpu.memory_space<vmem>> -> memref<128xi32, #tpu.memory_space<vmem>>
      %dma_start3A_88 = arith.constant 0 : i32
      %dma_start3A_89 = arith.constant 0 : i32
      %dma_start3A_90 = tpu.memref_slice %arg8[%dma_start3A_88, %dma_start3A_89] : memref<10112x128xf32, #tpu.memory_space<vmem_shared>> -> memref<10112x128xf32, #tpu.memory_space<vmem_shared>>
      tpu.enqueue_indirect_dma source(%arg7 : memref<128x128xf32, #tpu.memory_space<vmem>>) target(%dma_start3A_90 : memref<10112x128xf32, #tpu.memory_space<vmem_shared>>) offsets(%dma_start3A_87 : memref<128xi32, #tpu.memory_space<vmem>>) semaphore(%arg9 : memref<!tpu.dma_semaphore, #tpu.memory_space<semaphore_mem>>) {add = true}
      %mul3A_91 = arith.constant 8 : i32
      %mul3A_92 = arith.muli %scan3A_11, %mul3A_91 : i32
      %add3A_93 = arith.constant 0 : i32
      %add3A_94 = arith.addi %mul3A_92, %add3A_93 : i32
      %dma_wait3A = arith.constant 0 : i32
      %dma_wait3A_95 = tpu.memref_slice %arg6[%add3A_94, %dma_wait3A] : memref<80x128xi32, #tpu.memory_space<vmem>> -> memref<1x128xi32, #tpu.memory_space<vmem>>
      %dma_wait3A_96 = tpu.memref_squeeze %dma_wait3A_95 : memref<1x128xi32, #tpu.memory_space<vmem>> -> memref<128xi32, #tpu.memory_space<vmem>>
      %dma_wait3A_97 = arith.constant 0 : i32
      %dma_wait3A_98 = arith.constant 0 : i32
      %dma_wait3A_99 = tpu.memref_slice %arg8[%dma_wait3A_97, %dma_wait3A_98] : memref<10112x128xf32, #tpu.memory_space<vmem_shared>> -> memref<10112x128xf32, #tpu.memory_space<vmem_shared>>
      tpu.wait_indirect_dma semaphore(%arg9 : memref<!tpu.dma_semaphore, #tpu.memory_space<semaphore_mem>>) src(%arg7 : memref<128x128xf32, #tpu.memory_space<vmem>>) dst(%dma_wait3A_99 : memref<10112x128xf32, #tpu.memory_space<vmem_shared>>)
      %mul3A_100 = arith.constant 8 : i32
      %mul3A_101 = arith.muli %scan3A_11, %mul3A_100 : i32
      %add3A_102 = arith.constant 1 : i32
      %add3A_103 = arith.addi %mul3A_101, %add3A_102 : i32
      %dma_wait3A_104 = arith.constant 0 : i32
      %dma_wait3A_105 = tpu.memref_slice %arg6[%add3A_103, %dma_wait3A_104] : memref<80x128xi32, #tpu.memory_space<vmem>> -> memref<1x128xi32, #tpu.memory_space<vmem>>
      %dma_wait3A_106 = tpu.memref_squeeze %dma_wait3A_105 : memref<1x128xi32, #tpu.memory_space<vmem>> -> memref<128xi32, #tpu.memory_space<vmem>>
      %dma_wait3A_107 = arith.constant 0 : i32
      %dma_wait3A_108 = arith.constant 0 : i32
      %dma_wait3A_109 = tpu.memref_slice %arg8[%dma_wait3A_107, %dma_wait3A_108] : memref<10112x128xf32, #tpu.memory_space<vmem_shared>> -> memref<10112x128xf32, #tpu.memory_space<vmem_shared>>
      tpu.wait_indirect_dma semaphore(%arg9 : memref<!tpu.dma_semaphore, #tpu.memory_space<semaphore_mem>>) src(%arg7 : memref<128x128xf32, #tpu.memory_space<vmem>>) dst(%dma_wait3A_109 : memref<10112x128xf32, #tpu.memory_space<vmem_shared>>)
      %mul3A_110 = arith.constant 8 : i32
      %mul3A_111 = arith.muli %scan3A_11, %mul3A_110 : i32
      %add3A_112 = arith.constant 2 : i32
      %add3A_113 = arith.addi %mul3A_111, %add3A_112 : i32
      %dma_wait3A_114 = arith.constant 0 : i32
      %dma_wait3A_115 = tpu.memref_slice %arg6[%add3A_113, %dma_wait3A_114] : memref<80x128xi32, #tpu.memory_space<vmem>> -> memref<1x128xi32, #tpu.memory_space<vmem>>
      %dma_wait3A_116 = tpu.memref_squeeze %dma_wait3A_115 : memref<1x128xi32, #tpu.memory_space<vmem>> -> memref<128xi32, #tpu.memory_space<vmem>>
      %dma_wait3A_117 = arith.constant 0 : i32
      %dma_wait3A_118 = arith.constant 0 : i32
      %dma_wait3A_119 = tpu.memref_slice %arg8[%dma_wait3A_117, %dma_wait3A_118] : memref<10112x128xf32, #tpu.memory_space<vmem_shared>> -> memref<10112x128xf32, #tpu.memory_space<vmem_shared>>
      tpu.wait_indirect_dma semaphore(%arg9 : memref<!tpu.dma_semaphore, #tpu.memory_space<semaphore_mem>>) src(%arg7 : memref<128x128xf32, #tpu.memory_space<vmem>>) dst(%dma_wait3A_119 : memref<10112x128xf32, #tpu.memory_space<vmem_shared>>)
      %mul3A_120 = arith.constant 8 : i32
      %mul3A_121 = arith.muli %scan3A_11, %mul3A_120 : i32
      %add3A_122 = arith.constant 3 : i32
      %add3A_123 = arith.addi %mul3A_121, %add3A_122 : i32
      %dma_wait3A_124 = arith.constant 0 : i32
      %dma_wait3A_125 = tpu.memref_slice %arg6[%add3A_123, %dma_wait3A_124] : memref<80x128xi32, #tpu.memory_space<vmem>> -> memref<1x128xi32, #tpu.memory_space<vmem>>
      %dma_wait3A_126 = tpu.memref_squeeze %dma_wait3A_125 : memref<1x128xi32, #tpu.memory_space<vmem>> -> memref<128xi32, #tpu.memory_space<vmem>>
      %dma_wait3A_127 = arith.constant 0 : i32
      %dma_wait3A_128 = arith.constant 0 : i32
      %dma_wait3A_129 = tpu.memref_slice %arg8[%dma_wait3A_127, %dma_wait3A_128] : memref<10112x128xf32, #tpu.memory_space<vmem_shared>> -> memref<10112x128xf32, #tpu.memory_space<vmem_shared>>
      tpu.wait_indirect_dma semaphore(%arg9 : memref<!tpu.dma_semaphore, #tpu.memory_space<semaphore_mem>>) src(%arg7 : memref<128x128xf32, #tpu.memory_space<vmem>>) dst(%dma_wait3A_129 : memref<10112x128xf32, #tpu.memory_space<vmem_shared>>)
      %mul3A_130 = arith.constant 8 : i32
      %mul3A_131 = arith.muli %scan3A_11, %mul3A_130 : i32
      %add3A_132 = arith.constant 4 : i32
      %add3A_133 = arith.addi %mul3A_131, %add3A_132 : i32
      %dma_wait3A_134 = arith.constant 0 : i32
      %dma_wait3A_135 = tpu.memref_slice %arg6[%add3A_133, %dma_wait3A_134] : memref<80x128xi32, #tpu.memory_space<vmem>> -> memref<1x128xi32, #tpu.memory_space<vmem>>
      %dma_wait3A_136 = tpu.memref_squeeze %dma_wait3A_135 : memref<1x128xi32, #tpu.memory_space<vmem>> -> memref<128xi32, #tpu.memory_space<vmem>>
      %dma_wait3A_137 = arith.constant 0 : i32
      %dma_wait3A_138 = arith.constant 0 : i32
      %dma_wait3A_139 = tpu.memref_slice %arg8[%dma_wait3A_137, %dma_wait3A_138] : memref<10112x128xf32, #tpu.memory_space<vmem_shared>> -> memref<10112x128xf32, #tpu.memory_space<vmem_shared>>
      tpu.wait_indirect_dma semaphore(%arg9 : memref<!tpu.dma_semaphore, #tpu.memory_space<semaphore_mem>>) src(%arg7 : memref<128x128xf32, #tpu.memory_space<vmem>>) dst(%dma_wait3A_139 : memref<10112x128xf32, #tpu.memory_space<vmem_shared>>)
      %mul3A_140 = arith.constant 8 : i32
      %mul3A_141 = arith.muli %scan3A_11, %mul3A_140 : i32
      %add3A_142 = arith.constant 5 : i32
      %add3A_143 = arith.addi %mul3A_141, %add3A_142 : i32
      %dma_wait3A_144 = arith.constant 0 : i32
      %dma_wait3A_145 = tpu.memref_slice %arg6[%add3A_143, %dma_wait3A_144] : memref<80x128xi32, #tpu.memory_space<vmem>> -> memref<1x128xi32, #tpu.memory_space<vmem>>
      %dma_wait3A_146 = tpu.memref_squeeze %dma_wait3A_145 : memref<1x128xi32, #tpu.memory_space<vmem>> -> memref<128xi32, #tpu.memory_space<vmem>>
      %dma_wait3A_147 = arith.constant 0 : i32
      %dma_wait3A_148 = arith.constant 0 : i32
      %dma_wait3A_149 = tpu.memref_slice %arg8[%dma_wait3A_147, %dma_wait3A_148] : memref<10112x128xf32, #tpu.memory_space<vmem_shared>> -> memref<10112x128xf32, #tpu.memory_space<vmem_shared>>
      tpu.wait_indirect_dma semaphore(%arg9 : memref<!tpu.dma_semaphore, #tpu.memory_space<semaphore_mem>>) src(%arg7 : memref<128x128xf32, #tpu.memory_space<vmem>>) dst(%dma_wait3A_149 : memref<10112x128xf32, #tpu.memory_space<vmem_shared>>)
      %mul3A_150 = arith.constant 8 : i32
      %mul3A_151 = arith.muli %scan3A_11, %mul3A_150 : i32
      %add3A_152 = arith.constant 6 : i32
      %add3A_153 = arith.addi %mul3A_151, %add3A_152 : i32
      %dma_wait3A_154 = arith.constant 0 : i32
      %dma_wait3A_155 = tpu.memref_slice %arg6[%add3A_153, %dma_wait3A_154] : memref<80x128xi32, #tpu.memory_space<vmem>> -> memref<1x128xi32, #tpu.memory_space<vmem>>
      %dma_wait3A_156 = tpu.memref_squeeze %dma_wait3A_155 : memref<1x128xi32, #tpu.memory_space<vmem>> -> memref<128xi32, #tpu.memory_space<vmem>>
      %dma_wait3A_157 = arith.constant 0 : i32
      %dma_wait3A_158 = arith.constant 0 : i32
      %dma_wait3A_159 = tpu.memref_slice %arg8[%dma_wait3A_157, %dma_wait3A_158] : memref<10112x128xf32, #tpu.memory_space<vmem_shared>> -> memref<10112x128xf32, #tpu.memory_space<vmem_shared>>
      tpu.wait_indirect_dma semaphore(%arg9 : memref<!tpu.dma_semaphore, #tpu.memory_space<semaphore_mem>>) src(%arg7 : memref<128x128xf32, #tpu.memory_space<vmem>>) dst(%dma_wait3A_159 : memref<10112x128xf32, #tpu.memory_space<vmem_shared>>)
      %mul3A_160 = arith.constant 8 : i32
      %mul3A_161 = arith.muli %scan3A_11, %mul3A_160 : i32
      %add3A_162 = arith.constant 7 : i32
      %add3A_163 = arith.addi %mul3A_161, %add3A_162 : i32
      %dma_wait3A_164 = arith.constant 0 : i32
      %dma_wait3A_165 = tpu.memref_slice %arg6[%add3A_163, %dma_wait3A_164] : memref<80x128xi32, #tpu.memory_space<vmem>> -> memref<1x128xi32, #tpu.memory_space<vmem>>
      %dma_wait3A_166 = tpu.memref_squeeze %dma_wait3A_165 : memref<1x128xi32, #tpu.memory_space<vmem>> -> memref<128xi32, #tpu.memory_space<vmem>>
      %dma_wait3A_167 = arith.constant 0 : i32
      %dma_wait3A_168 = arith.constant 0 : i32
      %dma_wait3A_169 = tpu.memref_slice %arg8[%dma_wait3A_167, %dma_wait3A_168] : memref<10112x128xf32, #tpu.memory_space<vmem_shared>> -> memref<10112x128xf32, #tpu.memory_space<vmem_shared>>
      tpu.wait_indirect_dma semaphore(%arg9 : memref<!tpu.dma_semaphore, #tpu.memory_space<semaphore_mem>>) src(%arg7 : memref<128x128xf32, #tpu.memory_space<vmem>>) dst(%dma_wait3A_169 : memref<10112x128xf32, #tpu.memory_space<vmem_shared>>)
    }
    %scan3A_9 = arith.constant 10 : i32
    %barrier3A_10 = arith.constant 0 : index
    tpu.barrier barrier_id(%barrier3A_10)
    "tpu.region"() ({
      %run_scoped3A = tpu.sem_alloc : memref<!tpu.dma_semaphore, #tpu.memory_space<semaphore_mem>>
      %dma_start3A = arith.constant 0 : i32
      %dma_start3A_11 = tpu.memref_slice %arg5[%arg0, %mul3A_2, %dma_start3A] : memref<2x10112x128xf32, #tpu.memory_space<hbm>> -> memref<1x632x128xf32, #tpu.memory_space<hbm>>
      %dma_start3A_12 = tpu.memref_squeeze %dma_start3A_11 : memref<1x632x128xf32, #tpu.memory_space<hbm>> -> memref<632x128xf32, #tpu.memory_space<hbm>>
      %dma_start3A_13 = arith.constant 0 : i32
      %dma_start3A_14 = tpu.memref_slice %arg8[%mul3A_2, %dma_start3A_13] : memref<10112x128xf32, #tpu.memory_space<vmem_shared>> -> memref<632x128xf32, #tpu.memory_space<vmem_shared>>
      tpu.enqueue_dma source(%dma_start3A_14 : memref<632x128xf32, #tpu.memory_space<vmem_shared>>) target(%dma_start3A_12 : memref<632x128xf32, #tpu.memory_space<hbm>>) target_semaphore(%run_scoped3A : memref<!tpu.dma_semaphore, #tpu.memory_space<semaphore_mem>>)
      %dma_wait3A = arith.constant 0 : i32
      %dma_wait3A_15 = tpu.memref_slice %arg5[%arg0, %mul3A_2, %dma_wait3A] : memref<2x10112x128xf32, #tpu.memory_space<hbm>> -> memref<1x632x128xf32, #tpu.memory_space<hbm>>
      %dma_wait3A_16 = tpu.memref_squeeze %dma_wait3A_15 : memref<1x632x128xf32, #tpu.memory_space<hbm>> -> memref<632x128xf32, #tpu.memory_space<hbm>>
      %dma_wait3A_17 = arith.constant 0 : i32
      %dma_wait3A_18 = tpu.memref_slice %arg8[%mul3A_2, %dma_wait3A_17] : memref<10112x128xf32, #tpu.memory_space<vmem_shared>> -> memref<632x128xf32, #tpu.memory_space<vmem_shared>>
      tpu.wait_dma2 semaphore(%run_scoped3A : memref<!tpu.dma_semaphore, #tpu.memory_space<semaphore_mem>>) src(%dma_wait3A_18 : memref<632x128xf32, #tpu.memory_space<vmem_shared>>) dst(%dma_wait3A_16 : memref<632x128xf32, #tpu.memory_space<hbm>>)
      tpu.yield
    }) : () -> ()
    return
  }
}

#map = affine_map<(d0, d1) -> (0, 0)>
#map1 = affine_map<(d0, d1) -> (0, 0, 0)>
module attributes {stable_mosaic.version = 14 : i64} {
  func.func @_agg_kernel(%arg0: i32, %arg1: i32, %arg2: memref<2560x128xi32, #tpu.memory_space<hbm>>, %arg3: memref<2560x128xi32, #tpu.memory_space<hbm>>, %arg4: memref<10112x128xf32, #tpu.memory_space<hbm>>, %arg5: memref<10112x128xf32, #tpu.memory_space<hbm>>, %arg6: memref<2x10112x128xf32, #tpu.memory_space<hbm>>, %arg7: memref<40x128xi32, #tpu.memory_space<vmem>>, %arg8: memref<40x128xi32, #tpu.memory_space<vmem>>, %arg9: memref<128x128xf32, #tpu.memory_space<vmem>>, %arg10: memref<128x128xf32, #tpu.memory_space<vmem>>, %arg11: memref<10112x128xf32, #tpu.memory_space<vmem_shared>>, %arg12: memref<!tpu.dma_semaphore, #tpu.memory_space<semaphore_mem>>, %arg13: memref<!tpu.dma_semaphore, #tpu.memory_space<semaphore_mem>>) attributes {dimension_semantics = [#tpu.dimension_semantics<core_parallel>, #tpu.dimension_semantics<subcore_parallel>], iteration_bounds = array<i64: 2, 16>, scalar_prefetch = 0 : i64, scratch_operands = 7 : i64, tpu.core_type = #tpu.core_type<sc_vector_subcore>, window_params = [{transform_indices = #map}, {transform_indices = #map}, {transform_indices = #map}, {transform_indices = #map}, {transform_indices = #map1}]} {
    %mul3A = arith.constant 632 : i32
    %mul3A_0 = arith.muli %arg1, %mul3A : i32
    %eq3A = arith.constant 1 : i32
    %eq3A_1 = arith.cmpi eq, %arg0, %eq3A : i32
    %mul3A_2 = arith.constant 120 : i32
    %mul3A_3 = arith.muli %arg1, %mul3A_2 : i32
    %mul3A_4 = arith.constant 40 : i32
    %mul3A_5 = arith.muli %arg1, %mul3A_4 : i32
    %add3A = arith.constant 1920 : i32
    %add3A_6 = arith.addi %add3A, %mul3A_5 : i32
    %select_n3A = arith.select %eq3A_1, %mul3A_3, %add3A_6 : i32
    %eq3A_7 = arith.constant 1 : i32
    %eq3A_8 = arith.cmpi eq, %arg0, %eq3A_7 : i32
    %jit3A = arith.constant 3 : i32
    %jit3A_9 = arith.constant 1 : i32
    %select_n3A_10 = arith.select %eq3A_8, %jit3A, %jit3A_9 : i32
    "tpu.region"() ({
      %run_scoped3A = tpu.sem_alloc : memref<!tpu.dma_semaphore, #tpu.memory_space<semaphore_mem>>
      %dma_start3A = arith.constant 0 : i32
      %dma_start3A_21 = tpu.memref_slice %arg11[%mul3A_0, %dma_start3A] : memref<10112x128xf32, #tpu.memory_space<vmem_shared>> -> memref<632x128xf32, #tpu.memory_space<vmem_shared>>
      %dma_start3A_22 = arith.constant 0 : i32
      %dma_start3A_23 = tpu.memref_slice %arg5[%mul3A_0, %dma_start3A_22] : memref<10112x128xf32, #tpu.memory_space<hbm>> -> memref<632x128xf32, #tpu.memory_space<hbm>>
      tpu.enqueue_dma source(%dma_start3A_23 : memref<632x128xf32, #tpu.memory_space<hbm>>) target(%dma_start3A_21 : memref<632x128xf32, #tpu.memory_space<vmem_shared>>) target_semaphore(%run_scoped3A : memref<!tpu.dma_semaphore, #tpu.memory_space<semaphore_mem>>)
      %dma_wait3A = arith.constant 0 : i32
      %dma_wait3A_24 = tpu.memref_slice %arg11[%mul3A_0, %dma_wait3A] : memref<10112x128xf32, #tpu.memory_space<vmem_shared>> -> memref<632x128xf32, #tpu.memory_space<vmem_shared>>
      %dma_wait3A_25 = arith.constant 0 : i32
      %dma_wait3A_26 = tpu.memref_slice %arg5[%mul3A_0, %dma_wait3A_25] : memref<10112x128xf32, #tpu.memory_space<hbm>> -> memref<632x128xf32, #tpu.memory_space<hbm>>
      tpu.wait_dma2 semaphore(%run_scoped3A : memref<!tpu.dma_semaphore, #tpu.memory_space<semaphore_mem>>) src(%dma_wait3A_26 : memref<632x128xf32, #tpu.memory_space<hbm>>) dst(%dma_wait3A_24 : memref<632x128xf32, #tpu.memory_space<vmem_shared>>)
      tpu.yield
    }) : () -> ()
    %barrier3A = arith.constant 0 : index
    tpu.barrier barrier_id(%barrier3A)
    %while3A = arith.constant 0 : i32
    %while3A_11 = arith.constant 0 : i32
    %while3A_12 = arith.subi %select_n3A_10, %while3A_11 : i32
    %while3A_13 = arith.addi %while3A_11, %while3A_12 : i32
    %while3A_14 = arith.constant 1 : i32
    %while3A_15 = arith.divsi %while3A_12, %while3A_14 : i32
    %while3A_16 = arith.muli %while3A_15, %while3A_14 : i32
    %while3A_17 = arith.addi %while3A_11, %while3A_16 : i32
    %while3A_18 = arith.constant 1 : i32
    scf.for %while3A_21 = %while3A_11 to %while3A_17 step %while3A_18  : i32 {
      %mul3A_22 = arith.constant 40 : i32
      %mul3A_23 = arith.muli %while3A_21, %mul3A_22 : i32
      %add3A_24 = arith.addi %select_n3A, %mul3A_23 : i32
      "tpu.region"() ({
        %run_scoped3A = tpu.sem_alloc : memref<!tpu.dma_semaphore, #tpu.memory_space<semaphore_mem>>
        %dma_start3A_45 = arith.constant 0 : i32
        %dma_start3A_46 = tpu.memref_slice %arg2[%add3A_24, %dma_start3A_45] : memref<2560x128xi32, #tpu.memory_space<hbm>> -> memref<40x128xi32, #tpu.memory_space<hbm>>
        %dma_start3A_47 = arith.constant 0 : i32
        %dma_start3A_48 = tpu.memref_slice %arg2[%add3A_24, %dma_start3A_47] : memref<2560x128xi32, #tpu.memory_space<hbm>> -> memref<40x128xi32, #tpu.memory_space<hbm>>
        tpu.enqueue_dma source(%dma_start3A_48 : memref<40x128xi32, #tpu.memory_space<hbm>>) target(%arg7 : memref<40x128xi32, #tpu.memory_space<vmem>>) target_semaphore(%run_scoped3A : memref<!tpu.dma_semaphore, #tpu.memory_space<semaphore_mem>>)
        %dma_wait3A_49 = arith.constant 0 : i32
        %dma_wait3A_50 = tpu.memref_slice %arg2[%add3A_24, %dma_wait3A_49] : memref<2560x128xi32, #tpu.memory_space<hbm>> -> memref<40x128xi32, #tpu.memory_space<hbm>>
        %dma_wait3A_51 = arith.constant 0 : i32
        %dma_wait3A_52 = tpu.memref_slice %arg2[%add3A_24, %dma_wait3A_51] : memref<2560x128xi32, #tpu.memory_space<hbm>> -> memref<40x128xi32, #tpu.memory_space<hbm>>
        tpu.wait_dma2 semaphore(%run_scoped3A : memref<!tpu.dma_semaphore, #tpu.memory_space<semaphore_mem>>) src(%dma_wait3A_52 : memref<40x128xi32, #tpu.memory_space<hbm>>) dst(%arg7 : memref<40x128xi32, #tpu.memory_space<vmem>>)
        tpu.yield
      }) : () -> ()
      %mul3A_25 = arith.constant 40 : i32
      %mul3A_26 = arith.muli %while3A_21, %mul3A_25 : i32
      %add3A_27 = arith.addi %select_n3A, %mul3A_26 : i32
      "tpu.region"() ({
        %run_scoped3A = tpu.sem_alloc : memref<!tpu.dma_semaphore, #tpu.memory_space<semaphore_mem>>
        %dma_start3A_45 = arith.constant 0 : i32
        %dma_start3A_46 = tpu.memref_slice %arg3[%add3A_27, %dma_start3A_45] : memref<2560x128xi32, #tpu.memory_space<hbm>> -> memref<40x128xi32, #tpu.memory_space<hbm>>
        %dma_start3A_47 = arith.constant 0 : i32
        %dma_start3A_48 = tpu.memref_slice %arg3[%add3A_27, %dma_start3A_47] : memref<2560x128xi32, #tpu.memory_space<hbm>> -> memref<40x128xi32, #tpu.memory_space<hbm>>
        tpu.enqueue_dma source(%dma_start3A_48 : memref<40x128xi32, #tpu.memory_space<hbm>>) target(%arg8 : memref<40x128xi32, #tpu.memory_space<vmem>>) target_semaphore(%run_scoped3A : memref<!tpu.dma_semaphore, #tpu.memory_space<semaphore_mem>>)
        %dma_wait3A_49 = arith.constant 0 : i32
        %dma_wait3A_50 = tpu.memref_slice %arg3[%add3A_27, %dma_wait3A_49] : memref<2560x128xi32, #tpu.memory_space<hbm>> -> memref<40x128xi32, #tpu.memory_space<hbm>>
        %dma_wait3A_51 = arith.constant 0 : i32
        %dma_wait3A_52 = tpu.memref_slice %arg3[%add3A_27, %dma_wait3A_51] : memref<2560x128xi32, #tpu.memory_space<hbm>> -> memref<40x128xi32, #tpu.memory_space<hbm>>
        tpu.wait_dma2 semaphore(%run_scoped3A : memref<!tpu.dma_semaphore, #tpu.memory_space<semaphore_mem>>) src(%dma_wait3A_52 : memref<40x128xi32, #tpu.memory_space<hbm>>) dst(%arg8 : memref<40x128xi32, #tpu.memory_space<vmem>>)
        tpu.yield
      }) : () -> ()
      %dma_start3A = arith.constant 0 : i32
      %dma_start3A_28 = arith.constant 0 : i32
      %dma_start3A_29 = tpu.memref_slice %arg7[%dma_start3A, %dma_start3A_28] : memref<40x128xi32, #tpu.memory_space<vmem>> -> memref<1x128xi32, #tpu.memory_space<vmem>>
      %dma_start3A_30 = tpu.memref_squeeze %dma_start3A_29 : memref<1x128xi32, #tpu.memory_space<vmem>> -> memref<128xi32, #tpu.memory_space<vmem>>
      %dma_start3A_31 = arith.constant 0 : i32
      %dma_start3A_32 = arith.constant 0 : i32
      %dma_start3A_33 = tpu.memref_slice %arg4[%dma_start3A_31, %dma_start3A_32] : memref<10112x128xf32, #tpu.memory_space<hbm>> -> memref<10112x128xf32, #tpu.memory_space<hbm>>
      tpu.enqueue_indirect_dma source(%dma_start3A_33 : memref<10112x128xf32, #tpu.memory_space<hbm>>) target(%arg9 : memref<128x128xf32, #tpu.memory_space<vmem>>) offsets(%dma_start3A_30 : memref<128xi32, #tpu.memory_space<vmem>>) semaphore(%arg12 : memref<!tpu.dma_semaphore, #tpu.memory_space<semaphore_mem>>)
      %scan3A = arith.constant 0 : i32
      %scan3A_34 = arith.constant 0 : i32
      %scan3A_35 = arith.constant 20 : i32
      %scan3A_36 = arith.addi %scan3A_34, %scan3A_35 : i32
      %scan3A_37 = arith.constant 1 : i32
      scf.for %scan3A_45 = %scan3A_34 to %scan3A_36 step %scan3A_37  : i32 {
        %mul3A_46 = arith.constant 2 : i32
        %mul3A_47 = arith.muli %mul3A_46, %scan3A_45 : i32
        %dma_wait3A_48 = arith.constant 0 : i32
        %dma_wait3A_49 = arith.constant 0 : i32
        %dma_wait3A_50 = tpu.memref_slice %arg7[%dma_wait3A_48, %dma_wait3A_49] : memref<40x128xi32, #tpu.memory_space<vmem>> -> memref<1x128xi32, #tpu.memory_space<vmem>>
        %dma_wait3A_51 = tpu.memref_squeeze %dma_wait3A_50 : memref<1x128xi32, #tpu.memory_space<vmem>> -> memref<128xi32, #tpu.memory_space<vmem>>
        %dma_wait3A_52 = arith.constant 0 : i32
        %dma_wait3A_53 = arith.constant 0 : i32
        %dma_wait3A_54 = tpu.memref_slice %arg4[%dma_wait3A_52, %dma_wait3A_53] : memref<10112x128xf32, #tpu.memory_space<hbm>> -> memref<10112x128xf32, #tpu.memory_space<hbm>>
        tpu.wait_indirect_dma semaphore(%arg12 : memref<!tpu.dma_semaphore, #tpu.memory_space<semaphore_mem>>) src(%dma_wait3A_54 : memref<10112x128xf32, #tpu.memory_space<hbm>>) dst(%arg9 : memref<128x128xf32, #tpu.memory_space<vmem>>)
        %gt3A = arith.constant 0 : i32
        %gt3A_55 = arith.cmpi sgt, %scan3A_45, %gt3A : i32
        %convert_element_type3A = arith.extui %gt3A_55 : i1 to i32
        %cond3A = arith.constant 0 : i32
        %cond3A_56 = arith.cmpi ne, %convert_element_type3A, %cond3A : i32
        scf.if %cond3A_56 {
          %dma_wait3A_97 = arith.constant 0 : i32
          %dma_wait3A_98 = arith.constant 0 : i32
          %dma_wait3A_99 = tpu.memref_slice %arg8[%dma_wait3A_97, %dma_wait3A_98] : memref<40x128xi32, #tpu.memory_space<vmem>> -> memref<1x128xi32, #tpu.memory_space<vmem>>
          %dma_wait3A_100 = tpu.memref_squeeze %dma_wait3A_99 : memref<1x128xi32, #tpu.memory_space<vmem>> -> memref<128xi32, #tpu.memory_space<vmem>>
          %dma_wait3A_101 = arith.constant 0 : i32
          %dma_wait3A_102 = arith.constant 0 : i32
          %dma_wait3A_103 = tpu.memref_slice %arg11[%dma_wait3A_101, %dma_wait3A_102] : memref<10112x128xf32, #tpu.memory_space<vmem_shared>> -> memref<10112x128xf32, #tpu.memory_space<vmem_shared>>
          tpu.wait_indirect_dma semaphore(%arg13 : memref<!tpu.dma_semaphore, #tpu.memory_space<semaphore_mem>>) src(%arg10 : memref<128x128xf32, #tpu.memory_space<vmem>>) dst(%dma_wait3A_103 : memref<10112x128xf32, #tpu.memory_space<vmem_shared>>)
        } else {
        }
        %add3A_57 = arith.constant 1 : i32
        %add3A_58 = arith.addi %mul3A_47, %add3A_57 : i32
        %dma_start3A_59 = arith.constant 0 : i32
        %dma_start3A_60 = tpu.memref_slice %arg7[%add3A_58, %dma_start3A_59] : memref<40x128xi32, #tpu.memory_space<vmem>> -> memref<1x128xi32, #tpu.memory_space<vmem>>
        %dma_start3A_61 = tpu.memref_squeeze %dma_start3A_60 : memref<1x128xi32, #tpu.memory_space<vmem>> -> memref<128xi32, #tpu.memory_space<vmem>>
        %dma_start3A_62 = arith.constant 0 : i32
        %dma_start3A_63 = arith.constant 0 : i32
        %dma_start3A_64 = tpu.memref_slice %arg4[%dma_start3A_62, %dma_start3A_63] : memref<10112x128xf32, #tpu.memory_space<hbm>> -> memref<10112x128xf32, #tpu.memory_space<hbm>>
        tpu.enqueue_indirect_dma source(%dma_start3A_64 : memref<10112x128xf32, #tpu.memory_space<hbm>>) target(%arg10 : memref<128x128xf32, #tpu.memory_space<vmem>>) offsets(%dma_start3A_61 : memref<128xi32, #tpu.memory_space<vmem>>) semaphore(%arg12 : memref<!tpu.dma_semaphore, #tpu.memory_space<semaphore_mem>>)
        %dma_start3A_65 = arith.constant 0 : i32
        %dma_start3A_66 = tpu.memref_slice %arg8[%mul3A_47, %dma_start3A_65] : memref<40x128xi32, #tpu.memory_space<vmem>> -> memref<1x128xi32, #tpu.memory_space<vmem>>
        %dma_start3A_67 = tpu.memref_squeeze %dma_start3A_66 : memref<1x128xi32, #tpu.memory_space<vmem>> -> memref<128xi32, #tpu.memory_space<vmem>>
        %dma_start3A_68 = arith.constant 0 : i32
        %dma_start3A_69 = arith.constant 0 : i32
        %dma_start3A_70 = tpu.memref_slice %arg11[%dma_start3A_68, %dma_start3A_69] : memref<10112x128xf32, #tpu.memory_space<vmem_shared>> -> memref<10112x128xf32, #tpu.memory_space<vmem_shared>>
        tpu.enqueue_indirect_dma source(%arg9 : memref<128x128xf32, #tpu.memory_space<vmem>>) target(%dma_start3A_70 : memref<10112x128xf32, #tpu.memory_space<vmem_shared>>) offsets(%dma_start3A_67 : memref<128xi32, #tpu.memory_space<vmem>>) semaphore(%arg13 : memref<!tpu.dma_semaphore, #tpu.memory_space<semaphore_mem>>) {add = true}
        %dma_wait3A_71 = arith.constant 0 : i32
        %dma_wait3A_72 = arith.constant 0 : i32
        %dma_wait3A_73 = tpu.memref_slice %arg7[%dma_wait3A_71, %dma_wait3A_72] : memref<40x128xi32, #tpu.memory_space<vmem>> -> memref<1x128xi32, #tpu.memory_space<vmem>>
        %dma_wait3A_74 = tpu.memref_squeeze %dma_wait3A_73 : memref<1x128xi32, #tpu.memory_space<vmem>> -> memref<128xi32, #tpu.memory_space<vmem>>
        %dma_wait3A_75 = arith.constant 0 : i32
        %dma_wait3A_76 = arith.constant 0 : i32
        %dma_wait3A_77 = tpu.memref_slice %arg4[%dma_wait3A_75, %dma_wait3A_76] : memref<10112x128xf32, #tpu.memory_space<hbm>> -> memref<10112x128xf32, #tpu.memory_space<hbm>>
        tpu.wait_indirect_dma semaphore(%arg12 : memref<!tpu.dma_semaphore, #tpu.memory_space<semaphore_mem>>) src(%dma_wait3A_77 : memref<10112x128xf32, #tpu.memory_space<hbm>>) dst(%arg10 : memref<128x128xf32, #tpu.memory_space<vmem>>)
        %dma_wait3A_78 = arith.constant 0 : i32
        %dma_wait3A_79 = arith.constant 0 : i32
        %dma_wait3A_80 = tpu.memref_slice %arg8[%dma_wait3A_78, %dma_wait3A_79] : memref<40x128xi32, #tpu.memory_space<vmem>> -> memref<1x128xi32, #tpu.memory_space<vmem>>
        %dma_wait3A_81 = tpu.memref_squeeze %dma_wait3A_80 : memref<1x128xi32, #tpu.memory_space<vmem>> -> memref<128xi32, #tpu.memory_space<vmem>>
        %dma_wait3A_82 = arith.constant 0 : i32
        %dma_wait3A_83 = arith.constant 0 : i32
        %dma_wait3A_84 = tpu.memref_slice %arg11[%dma_wait3A_82, %dma_wait3A_83] : memref<10112x128xf32, #tpu.memory_space<vmem_shared>> -> memref<10112x128xf32, #tpu.memory_space<vmem_shared>>
        tpu.wait_indirect_dma semaphore(%arg13 : memref<!tpu.dma_semaphore, #tpu.memory_space<semaphore_mem>>) src(%arg9 : memref<128x128xf32, #tpu.memory_space<vmem>>) dst(%dma_wait3A_84 : memref<10112x128xf32, #tpu.memory_space<vmem_shared>>)
        %lt3A = arith.constant 19 : i32
        %lt3A_85 = arith.cmpi slt, %scan3A_45, %lt3A : i32
        %convert_element_type3A_86 = arith.extui %lt3A_85 : i1 to i32
        %cond3A_87 = arith.constant 0 : i32
        %cond3A_88 = arith.cmpi ne, %convert_element_type3A_86, %cond3A_87 : i32
        scf.if %cond3A_88 {
          %add3A_97 = arith.constant 2 : i32
          %add3A_98 = arith.addi %mul3A_47, %add3A_97 : i32
          %dma_start3A_99 = arith.constant 0 : i32
          %dma_start3A_100 = tpu.memref_slice %arg7[%add3A_98, %dma_start3A_99] : memref<40x128xi32, #tpu.memory_space<vmem>> -> memref<1x128xi32, #tpu.memory_space<vmem>>
          %dma_start3A_101 = tpu.memref_squeeze %dma_start3A_100 : memref<1x128xi32, #tpu.memory_space<vmem>> -> memref<128xi32, #tpu.memory_space<vmem>>
          %dma_start3A_102 = arith.constant 0 : i32
          %dma_start3A_103 = arith.constant 0 : i32
          %dma_start3A_104 = tpu.memref_slice %arg4[%dma_start3A_102, %dma_start3A_103] : memref<10112x128xf32, #tpu.memory_space<hbm>> -> memref<10112x128xf32, #tpu.memory_space<hbm>>
          tpu.enqueue_indirect_dma source(%dma_start3A_104 : memref<10112x128xf32, #tpu.memory_space<hbm>>) target(%arg9 : memref<128x128xf32, #tpu.memory_space<vmem>>) offsets(%dma_start3A_101 : memref<128xi32, #tpu.memory_space<vmem>>) semaphore(%arg12 : memref<!tpu.dma_semaphore, #tpu.memory_space<semaphore_mem>>)
        } else {
        }
        %add3A_89 = arith.constant 1 : i32
        %add3A_90 = arith.addi %mul3A_47, %add3A_89 : i32
        %dma_start3A_91 = arith.constant 0 : i32
        %dma_start3A_92 = tpu.memref_slice %arg8[%add3A_90, %dma_start3A_91] : memref<40x128xi32, #tpu.memory_space<vmem>> -> memref<1x128xi32, #tpu.memory_space<vmem>>
        %dma_start3A_93 = tpu.memref_squeeze %dma_start3A_92 : memref<1x128xi32, #tpu.memory_space<vmem>> -> memref<128xi32, #tpu.memory_space<vmem>>
        %dma_start3A_94 = arith.constant 0 : i32
        %dma_start3A_95 = arith.constant 0 : i32
        %dma_start3A_96 = tpu.memref_slice %arg11[%dma_start3A_94, %dma_start3A_95] : memref<10112x128xf32, #tpu.memory_space<vmem_shared>> -> memref<10112x128xf32, #tpu.memory_space<vmem_shared>>
        tpu.enqueue_indirect_dma source(%arg10 : memref<128x128xf32, #tpu.memory_space<vmem>>) target(%dma_start3A_96 : memref<10112x128xf32, #tpu.memory_space<vmem_shared>>) offsets(%dma_start3A_93 : memref<128xi32, #tpu.memory_space<vmem>>) semaphore(%arg13 : memref<!tpu.dma_semaphore, #tpu.memory_space<semaphore_mem>>) {add = true}
      }
      %scan3A_38 = arith.constant 20 : i32
      %dma_wait3A = arith.constant 0 : i32
      %dma_wait3A_39 = arith.constant 0 : i32
      %dma_wait3A_40 = tpu.memref_slice %arg8[%dma_wait3A, %dma_wait3A_39] : memref<40x128xi32, #tpu.memory_space<vmem>> -> memref<1x128xi32, #tpu.memory_space<vmem>>
      %dma_wait3A_41 = tpu.memref_squeeze %dma_wait3A_40 : memref<1x128xi32, #tpu.memory_space<vmem>> -> memref<128xi32, #tpu.memory_space<vmem>>
      %dma_wait3A_42 = arith.constant 0 : i32
      %dma_wait3A_43 = arith.constant 0 : i32
      %dma_wait3A_44 = tpu.memref_slice %arg11[%dma_wait3A_42, %dma_wait3A_43] : memref<10112x128xf32, #tpu.memory_space<vmem_shared>> -> memref<10112x128xf32, #tpu.memory_space<vmem_shared>>
      tpu.wait_indirect_dma semaphore(%arg13 : memref<!tpu.dma_semaphore, #tpu.memory_space<semaphore_mem>>) src(%arg10 : memref<128x128xf32, #tpu.memory_space<vmem>>) dst(%dma_wait3A_44 : memref<10112x128xf32, #tpu.memory_space<vmem_shared>>)
    }
    %while3A_19 = arith.constant 1 : i32
    scf.for %while3A_21 = %while3A_17 to %while3A_13 step %while3A_19  : i32 {
      %mul3A_22 = arith.constant 40 : i32
      %mul3A_23 = arith.muli %while3A_21, %mul3A_22 : i32
      %add3A_24 = arith.addi %select_n3A, %mul3A_23 : i32
      "tpu.region"() ({
        %run_scoped3A = tpu.sem_alloc : memref<!tpu.dma_semaphore, #tpu.memory_space<semaphore_mem>>
        %dma_start3A_45 = arith.constant 0 : i32
        %dma_start3A_46 = tpu.memref_slice %arg2[%add3A_24, %dma_start3A_45] : memref<2560x128xi32, #tpu.memory_space<hbm>> -> memref<40x128xi32, #tpu.memory_space<hbm>>
        %dma_start3A_47 = arith.constant 0 : i32
        %dma_start3A_48 = tpu.memref_slice %arg2[%add3A_24, %dma_start3A_47] : memref<2560x128xi32, #tpu.memory_space<hbm>> -> memref<40x128xi32, #tpu.memory_space<hbm>>
        tpu.enqueue_dma source(%dma_start3A_48 : memref<40x128xi32, #tpu.memory_space<hbm>>) target(%arg7 : memref<40x128xi32, #tpu.memory_space<vmem>>) target_semaphore(%run_scoped3A : memref<!tpu.dma_semaphore, #tpu.memory_space<semaphore_mem>>)
        %dma_wait3A_49 = arith.constant 0 : i32
        %dma_wait3A_50 = tpu.memref_slice %arg2[%add3A_24, %dma_wait3A_49] : memref<2560x128xi32, #tpu.memory_space<hbm>> -> memref<40x128xi32, #tpu.memory_space<hbm>>
        %dma_wait3A_51 = arith.constant 0 : i32
        %dma_wait3A_52 = tpu.memref_slice %arg2[%add3A_24, %dma_wait3A_51] : memref<2560x128xi32, #tpu.memory_space<hbm>> -> memref<40x128xi32, #tpu.memory_space<hbm>>
        tpu.wait_dma2 semaphore(%run_scoped3A : memref<!tpu.dma_semaphore, #tpu.memory_space<semaphore_mem>>) src(%dma_wait3A_52 : memref<40x128xi32, #tpu.memory_space<hbm>>) dst(%arg7 : memref<40x128xi32, #tpu.memory_space<vmem>>)
        tpu.yield
      }) : () -> ()
      %mul3A_25 = arith.constant 40 : i32
      %mul3A_26 = arith.muli %while3A_21, %mul3A_25 : i32
      %add3A_27 = arith.addi %select_n3A, %mul3A_26 : i32
      "tpu.region"() ({
        %run_scoped3A = tpu.sem_alloc : memref<!tpu.dma_semaphore, #tpu.memory_space<semaphore_mem>>
        %dma_start3A_45 = arith.constant 0 : i32
        %dma_start3A_46 = tpu.memref_slice %arg3[%add3A_27, %dma_start3A_45] : memref<2560x128xi32, #tpu.memory_space<hbm>> -> memref<40x128xi32, #tpu.memory_space<hbm>>
        %dma_start3A_47 = arith.constant 0 : i32
        %dma_start3A_48 = tpu.memref_slice %arg3[%add3A_27, %dma_start3A_47] : memref<2560x128xi32, #tpu.memory_space<hbm>> -> memref<40x128xi32, #tpu.memory_space<hbm>>
        tpu.enqueue_dma source(%dma_start3A_48 : memref<40x128xi32, #tpu.memory_space<hbm>>) target(%arg8 : memref<40x128xi32, #tpu.memory_space<vmem>>) target_semaphore(%run_scoped3A : memref<!tpu.dma_semaphore, #tpu.memory_space<semaphore_mem>>)
        %dma_wait3A_49 = arith.constant 0 : i32
        %dma_wait3A_50 = tpu.memref_slice %arg3[%add3A_27, %dma_wait3A_49] : memref<2560x128xi32, #tpu.memory_space<hbm>> -> memref<40x128xi32, #tpu.memory_space<hbm>>
        %dma_wait3A_51 = arith.constant 0 : i32
        %dma_wait3A_52 = tpu.memref_slice %arg3[%add3A_27, %dma_wait3A_51] : memref<2560x128xi32, #tpu.memory_space<hbm>> -> memref<40x128xi32, #tpu.memory_space<hbm>>
        tpu.wait_dma2 semaphore(%run_scoped3A : memref<!tpu.dma_semaphore, #tpu.memory_space<semaphore_mem>>) src(%dma_wait3A_52 : memref<40x128xi32, #tpu.memory_space<hbm>>) dst(%arg8 : memref<40x128xi32, #tpu.memory_space<vmem>>)
        tpu.yield
      }) : () -> ()
      %dma_start3A = arith.constant 0 : i32
      %dma_start3A_28 = arith.constant 0 : i32
      %dma_start3A_29 = tpu.memref_slice %arg7[%dma_start3A, %dma_start3A_28] : memref<40x128xi32, #tpu.memory_space<vmem>> -> memref<1x128xi32, #tpu.memory_space<vmem>>
      %dma_start3A_30 = tpu.memref_squeeze %dma_start3A_29 : memref<1x128xi32, #tpu.memory_space<vmem>> -> memref<128xi32, #tpu.memory_space<vmem>>
      %dma_start3A_31 = arith.constant 0 : i32
      %dma_start3A_32 = arith.constant 0 : i32
      %dma_start3A_33 = tpu.memref_slice %arg4[%dma_start3A_31, %dma_start3A_32] : memref<10112x128xf32, #tpu.memory_space<hbm>> -> memref<10112x128xf32, #tpu.memory_space<hbm>>
      tpu.enqueue_indirect_dma source(%dma_start3A_33 : memref<10112x128xf32, #tpu.memory_space<hbm>>) target(%arg9 : memref<128x128xf32, #tpu.memory_space<vmem>>) offsets(%dma_start3A_30 : memref<128xi32, #tpu.memory_space<vmem>>) semaphore(%arg12 : memref<!tpu.dma_semaphore, #tpu.memory_space<semaphore_mem>>)
      %scan3A = arith.constant 0 : i32
      %scan3A_34 = arith.constant 0 : i32
      %scan3A_35 = arith.constant 20 : i32
      %scan3A_36 = arith.addi %scan3A_34, %scan3A_35 : i32
      %scan3A_37 = arith.constant 1 : i32
      scf.for %scan3A_45 = %scan3A_34 to %scan3A_36 step %scan3A_37  : i32 {
        %mul3A_46 = arith.constant 2 : i32
        %mul3A_47 = arith.muli %mul3A_46, %scan3A_45 : i32
        %dma_wait3A_48 = arith.constant 0 : i32
        %dma_wait3A_49 = arith.constant 0 : i32
        %dma_wait3A_50 = tpu.memref_slice %arg7[%dma_wait3A_48, %dma_wait3A_49] : memref<40x128xi32, #tpu.memory_space<vmem>> -> memref<1x128xi32, #tpu.memory_space<vmem>>
        %dma_wait3A_51 = tpu.memref_squeeze %dma_wait3A_50 : memref<1x128xi32, #tpu.memory_space<vmem>> -> memref<128xi32, #tpu.memory_space<vmem>>
        %dma_wait3A_52 = arith.constant 0 : i32
        %dma_wait3A_53 = arith.constant 0 : i32
        %dma_wait3A_54 = tpu.memref_slice %arg4[%dma_wait3A_52, %dma_wait3A_53] : memref<10112x128xf32, #tpu.memory_space<hbm>> -> memref<10112x128xf32, #tpu.memory_space<hbm>>
        tpu.wait_indirect_dma semaphore(%arg12 : memref<!tpu.dma_semaphore, #tpu.memory_space<semaphore_mem>>) src(%dma_wait3A_54 : memref<10112x128xf32, #tpu.memory_space<hbm>>) dst(%arg9 : memref<128x128xf32, #tpu.memory_space<vmem>>)
        %gt3A = arith.constant 0 : i32
        %gt3A_55 = arith.cmpi sgt, %scan3A_45, %gt3A : i32
        %convert_element_type3A = arith.extui %gt3A_55 : i1 to i32
        %cond3A = arith.constant 0 : i32
        %cond3A_56 = arith.cmpi ne, %convert_element_type3A, %cond3A : i32
        scf.if %cond3A_56 {
          %dma_wait3A_97 = arith.constant 0 : i32
          %dma_wait3A_98 = arith.constant 0 : i32
          %dma_wait3A_99 = tpu.memref_slice %arg8[%dma_wait3A_97, %dma_wait3A_98] : memref<40x128xi32, #tpu.memory_space<vmem>> -> memref<1x128xi32, #tpu.memory_space<vmem>>
          %dma_wait3A_100 = tpu.memref_squeeze %dma_wait3A_99 : memref<1x128xi32, #tpu.memory_space<vmem>> -> memref<128xi32, #tpu.memory_space<vmem>>
          %dma_wait3A_101 = arith.constant 0 : i32
          %dma_wait3A_102 = arith.constant 0 : i32
          %dma_wait3A_103 = tpu.memref_slice %arg11[%dma_wait3A_101, %dma_wait3A_102] : memref<10112x128xf32, #tpu.memory_space<vmem_shared>> -> memref<10112x128xf32, #tpu.memory_space<vmem_shared>>
          tpu.wait_indirect_dma semaphore(%arg13 : memref<!tpu.dma_semaphore, #tpu.memory_space<semaphore_mem>>) src(%arg10 : memref<128x128xf32, #tpu.memory_space<vmem>>) dst(%dma_wait3A_103 : memref<10112x128xf32, #tpu.memory_space<vmem_shared>>)
        } else {
        }
        %add3A_57 = arith.constant 1 : i32
        %add3A_58 = arith.addi %mul3A_47, %add3A_57 : i32
        %dma_start3A_59 = arith.constant 0 : i32
        %dma_start3A_60 = tpu.memref_slice %arg7[%add3A_58, %dma_start3A_59] : memref<40x128xi32, #tpu.memory_space<vmem>> -> memref<1x128xi32, #tpu.memory_space<vmem>>
        %dma_start3A_61 = tpu.memref_squeeze %dma_start3A_60 : memref<1x128xi32, #tpu.memory_space<vmem>> -> memref<128xi32, #tpu.memory_space<vmem>>
        %dma_start3A_62 = arith.constant 0 : i32
        %dma_start3A_63 = arith.constant 0 : i32
        %dma_start3A_64 = tpu.memref_slice %arg4[%dma_start3A_62, %dma_start3A_63] : memref<10112x128xf32, #tpu.memory_space<hbm>> -> memref<10112x128xf32, #tpu.memory_space<hbm>>
        tpu.enqueue_indirect_dma source(%dma_start3A_64 : memref<10112x128xf32, #tpu.memory_space<hbm>>) target(%arg10 : memref<128x128xf32, #tpu.memory_space<vmem>>) offsets(%dma_start3A_61 : memref<128xi32, #tpu.memory_space<vmem>>) semaphore(%arg12 : memref<!tpu.dma_semaphore, #tpu.memory_space<semaphore_mem>>)
        %dma_start3A_65 = arith.constant 0 : i32
        %dma_start3A_66 = tpu.memref_slice %arg8[%mul3A_47, %dma_start3A_65] : memref<40x128xi32, #tpu.memory_space<vmem>> -> memref<1x128xi32, #tpu.memory_space<vmem>>
        %dma_start3A_67 = tpu.memref_squeeze %dma_start3A_66 : memref<1x128xi32, #tpu.memory_space<vmem>> -> memref<128xi32, #tpu.memory_space<vmem>>
        %dma_start3A_68 = arith.constant 0 : i32
        %dma_start3A_69 = arith.constant 0 : i32
        %dma_start3A_70 = tpu.memref_slice %arg11[%dma_start3A_68, %dma_start3A_69] : memref<10112x128xf32, #tpu.memory_space<vmem_shared>> -> memref<10112x128xf32, #tpu.memory_space<vmem_shared>>
        tpu.enqueue_indirect_dma source(%arg9 : memref<128x128xf32, #tpu.memory_space<vmem>>) target(%dma_start3A_70 : memref<10112x128xf32, #tpu.memory_space<vmem_shared>>) offsets(%dma_start3A_67 : memref<128xi32, #tpu.memory_space<vmem>>) semaphore(%arg13 : memref<!tpu.dma_semaphore, #tpu.memory_space<semaphore_mem>>) {add = true}
        %dma_wait3A_71 = arith.constant 0 : i32
        %dma_wait3A_72 = arith.constant 0 : i32
        %dma_wait3A_73 = tpu.memref_slice %arg7[%dma_wait3A_71, %dma_wait3A_72] : memref<40x128xi32, #tpu.memory_space<vmem>> -> memref<1x128xi32, #tpu.memory_space<vmem>>
        %dma_wait3A_74 = tpu.memref_squeeze %dma_wait3A_73 : memref<1x128xi32, #tpu.memory_space<vmem>> -> memref<128xi32, #tpu.memory_space<vmem>>
        %dma_wait3A_75 = arith.constant 0 : i32
        %dma_wait3A_76 = arith.constant 0 : i32
        %dma_wait3A_77 = tpu.memref_slice %arg4[%dma_wait3A_75, %dma_wait3A_76] : memref<10112x128xf32, #tpu.memory_space<hbm>> -> memref<10112x128xf32, #tpu.memory_space<hbm>>
        tpu.wait_indirect_dma semaphore(%arg12 : memref<!tpu.dma_semaphore, #tpu.memory_space<semaphore_mem>>) src(%dma_wait3A_77 : memref<10112x128xf32, #tpu.memory_space<hbm>>) dst(%arg10 : memref<128x128xf32, #tpu.memory_space<vmem>>)
        %dma_wait3A_78 = arith.constant 0 : i32
        %dma_wait3A_79 = arith.constant 0 : i32
        %dma_wait3A_80 = tpu.memref_slice %arg8[%dma_wait3A_78, %dma_wait3A_79] : memref<40x128xi32, #tpu.memory_space<vmem>> -> memref<1x128xi32, #tpu.memory_space<vmem>>
        %dma_wait3A_81 = tpu.memref_squeeze %dma_wait3A_80 : memref<1x128xi32, #tpu.memory_space<vmem>> -> memref<128xi32, #tpu.memory_space<vmem>>
        %dma_wait3A_82 = arith.constant 0 : i32
        %dma_wait3A_83 = arith.constant 0 : i32
        %dma_wait3A_84 = tpu.memref_slice %arg11[%dma_wait3A_82, %dma_wait3A_83] : memref<10112x128xf32, #tpu.memory_space<vmem_shared>> -> memref<10112x128xf32, #tpu.memory_space<vmem_shared>>
        tpu.wait_indirect_dma semaphore(%arg13 : memref<!tpu.dma_semaphore, #tpu.memory_space<semaphore_mem>>) src(%arg9 : memref<128x128xf32, #tpu.memory_space<vmem>>) dst(%dma_wait3A_84 : memref<10112x128xf32, #tpu.memory_space<vmem_shared>>)
        %lt3A = arith.constant 19 : i32
        %lt3A_85 = arith.cmpi slt, %scan3A_45, %lt3A : i32
        %convert_element_type3A_86 = arith.extui %lt3A_85 : i1 to i32
        %cond3A_87 = arith.constant 0 : i32
        %cond3A_88 = arith.cmpi ne, %convert_element_type3A_86, %cond3A_87 : i32
        scf.if %cond3A_88 {
          %add3A_97 = arith.constant 2 : i32
          %add3A_98 = arith.addi %mul3A_47, %add3A_97 : i32
          %dma_start3A_99 = arith.constant 0 : i32
          %dma_start3A_100 = tpu.memref_slice %arg7[%add3A_98, %dma_start3A_99] : memref<40x128xi32, #tpu.memory_space<vmem>> -> memref<1x128xi32, #tpu.memory_space<vmem>>
          %dma_start3A_101 = tpu.memref_squeeze %dma_start3A_100 : memref<1x128xi32, #tpu.memory_space<vmem>> -> memref<128xi32, #tpu.memory_space<vmem>>
          %dma_start3A_102 = arith.constant 0 : i32
          %dma_start3A_103 = arith.constant 0 : i32
          %dma_start3A_104 = tpu.memref_slice %arg4[%dma_start3A_102, %dma_start3A_103] : memref<10112x128xf32, #tpu.memory_space<hbm>> -> memref<10112x128xf32, #tpu.memory_space<hbm>>
          tpu.enqueue_indirect_dma source(%dma_start3A_104 : memref<10112x128xf32, #tpu.memory_space<hbm>>) target(%arg9 : memref<128x128xf32, #tpu.memory_space<vmem>>) offsets(%dma_start3A_101 : memref<128xi32, #tpu.memory_space<vmem>>) semaphore(%arg12 : memref<!tpu.dma_semaphore, #tpu.memory_space<semaphore_mem>>)
        } else {
        }
        %add3A_89 = arith.constant 1 : i32
        %add3A_90 = arith.addi %mul3A_47, %add3A_89 : i32
        %dma_start3A_91 = arith.constant 0 : i32
        %dma_start3A_92 = tpu.memref_slice %arg8[%add3A_90, %dma_start3A_91] : memref<40x128xi32, #tpu.memory_space<vmem>> -> memref<1x128xi32, #tpu.memory_space<vmem>>
        %dma_start3A_93 = tpu.memref_squeeze %dma_start3A_92 : memref<1x128xi32, #tpu.memory_space<vmem>> -> memref<128xi32, #tpu.memory_space<vmem>>
        %dma_start3A_94 = arith.constant 0 : i32
        %dma_start3A_95 = arith.constant 0 : i32
        %dma_start3A_96 = tpu.memref_slice %arg11[%dma_start3A_94, %dma_start3A_95] : memref<10112x128xf32, #tpu.memory_space<vmem_shared>> -> memref<10112x128xf32, #tpu.memory_space<vmem_shared>>
        tpu.enqueue_indirect_dma source(%arg10 : memref<128x128xf32, #tpu.memory_space<vmem>>) target(%dma_start3A_96 : memref<10112x128xf32, #tpu.memory_space<vmem_shared>>) offsets(%dma_start3A_93 : memref<128xi32, #tpu.memory_space<vmem>>) semaphore(%arg13 : memref<!tpu.dma_semaphore, #tpu.memory_space<semaphore_mem>>) {add = true}
      }
      %scan3A_38 = arith.constant 20 : i32
      %dma_wait3A = arith.constant 0 : i32
      %dma_wait3A_39 = arith.constant 0 : i32
      %dma_wait3A_40 = tpu.memref_slice %arg8[%dma_wait3A, %dma_wait3A_39] : memref<40x128xi32, #tpu.memory_space<vmem>> -> memref<1x128xi32, #tpu.memory_space<vmem>>
      %dma_wait3A_41 = tpu.memref_squeeze %dma_wait3A_40 : memref<1x128xi32, #tpu.memory_space<vmem>> -> memref<128xi32, #tpu.memory_space<vmem>>
      %dma_wait3A_42 = arith.constant 0 : i32
      %dma_wait3A_43 = arith.constant 0 : i32
      %dma_wait3A_44 = tpu.memref_slice %arg11[%dma_wait3A_42, %dma_wait3A_43] : memref<10112x128xf32, #tpu.memory_space<vmem_shared>> -> memref<10112x128xf32, #tpu.memory_space<vmem_shared>>
      tpu.wait_indirect_dma semaphore(%arg13 : memref<!tpu.dma_semaphore, #tpu.memory_space<semaphore_mem>>) src(%arg10 : memref<128x128xf32, #tpu.memory_space<vmem>>) dst(%dma_wait3A_44 : memref<10112x128xf32, #tpu.memory_space<vmem_shared>>)
    }
    %barrier3A_20 = arith.constant 0 : index
    tpu.barrier barrier_id(%barrier3A_20)
    "tpu.region"() ({
      %run_scoped3A = tpu.sem_alloc : memref<!tpu.dma_semaphore, #tpu.memory_space<semaphore_mem>>
      %dma_start3A = arith.constant 0 : i32
      %dma_start3A_21 = tpu.memref_slice %arg6[%arg0, %mul3A_0, %dma_start3A] : memref<2x10112x128xf32, #tpu.memory_space<hbm>> -> memref<1x632x128xf32, #tpu.memory_space<hbm>>
      %dma_start3A_22 = tpu.memref_squeeze %dma_start3A_21 : memref<1x632x128xf32, #tpu.memory_space<hbm>> -> memref<632x128xf32, #tpu.memory_space<hbm>>
      %dma_start3A_23 = arith.constant 0 : i32
      %dma_start3A_24 = tpu.memref_slice %arg11[%mul3A_0, %dma_start3A_23] : memref<10112x128xf32, #tpu.memory_space<vmem_shared>> -> memref<632x128xf32, #tpu.memory_space<vmem_shared>>
      tpu.enqueue_dma source(%dma_start3A_24 : memref<632x128xf32, #tpu.memory_space<vmem_shared>>) target(%dma_start3A_22 : memref<632x128xf32, #tpu.memory_space<hbm>>) target_semaphore(%run_scoped3A : memref<!tpu.dma_semaphore, #tpu.memory_space<semaphore_mem>>)
      %dma_wait3A = arith.constant 0 : i32
      %dma_wait3A_25 = tpu.memref_slice %arg6[%arg0, %mul3A_0, %dma_wait3A] : memref<2x10112x128xf32, #tpu.memory_space<hbm>> -> memref<1x632x128xf32, #tpu.memory_space<hbm>>
      %dma_wait3A_26 = tpu.memref_squeeze %dma_wait3A_25 : memref<1x632x128xf32, #tpu.memory_space<hbm>> -> memref<632x128xf32, #tpu.memory_space<hbm>>
      %dma_wait3A_27 = arith.constant 0 : i32
      %dma_wait3A_28 = tpu.memref_slice %arg11[%mul3A_0, %dma_wait3A_27] : memref<10112x128xf32, #tpu.memory_space<vmem_shared>> -> memref<632x128xf32, #tpu.memory_space<vmem_shared>>
      tpu.wait_dma2 semaphore(%run_scoped3A : memref<!tpu.dma_semaphore, #tpu.memory_space<semaphore_mem>>) src(%dma_wait3A_28 : memref<632x128xf32, #tpu.memory_space<vmem_shared>>) dst(%dma_wait3A_26 : memref<632x128xf32, #tpu.memory_space<hbm>>)
      tpu.yield
    }) : () -> ()
    return
  }
}

#map = affine_map<(d0, d1) -> (0, 0)>
#map1 = affine_map<(d0, d1) -> (0, 0, 0)>
module attributes {stable_mosaic.version = 14 : i64} {
  func.func @_agg_kernel(%arg0: i32, %arg1: i32, %arg2: memref<2560x128xi32, #tpu.memory_space<hbm>>, %arg3: memref<2560x128xi32, #tpu.memory_space<hbm>>, %arg4: memref<10112x128xf32, #tpu.memory_space<hbm>>, %arg5: memref<10112x128xf32, #tpu.memory_space<hbm>>, %arg6: memref<2x10112x128xf32, #tpu.memory_space<hbm>>, %arg7: memref<40x128xi32, #tpu.memory_space<vmem>>, %arg8: memref<40x128xi32, #tpu.memory_space<vmem>>, %arg9: memref<128x128xf32, #tpu.memory_space<vmem>>, %arg10: memref<128x128xf32, #tpu.memory_space<vmem>>, %arg11: memref<10112x128xf32, #tpu.memory_space<vmem_shared>>, %arg12: memref<!tpu.dma_semaphore, #tpu.memory_space<semaphore_mem>>, %arg13: memref<!tpu.dma_semaphore, #tpu.memory_space<semaphore_mem>>) attributes {dimension_semantics = [#tpu.dimension_semantics<core_parallel>, #tpu.dimension_semantics<subcore_parallel>], iteration_bounds = array<i64: 2, 16>, scalar_prefetch = 0 : i64, scratch_operands = 7 : i64, tpu.core_type = #tpu.core_type<sc_vector_subcore>, window_params = [{transform_indices = #map}, {transform_indices = #map}, {transform_indices = #map}, {transform_indices = #map}, {transform_indices = #map1}]} {
    %mul3A = arith.constant 632 : i32
    %mul3A_0 = arith.muli %arg1, %mul3A : i32
    %eq3A = arith.constant 1 : i32
    %eq3A_1 = arith.cmpi eq, %arg0, %eq3A : i32
    %mul3A_2 = arith.constant 120 : i32
    %mul3A_3 = arith.muli %arg1, %mul3A_2 : i32
    %mul3A_4 = arith.constant 40 : i32
    %mul3A_5 = arith.muli %arg1, %mul3A_4 : i32
    %add3A = arith.constant 1920 : i32
    %add3A_6 = arith.addi %add3A, %mul3A_5 : i32
    %select_n3A = arith.select %eq3A_1, %mul3A_3, %add3A_6 : i32
    %eq3A_7 = arith.constant 1 : i32
    %eq3A_8 = arith.cmpi eq, %arg0, %eq3A_7 : i32
    %jit3A = arith.constant 3 : i32
    %jit3A_9 = arith.constant 1 : i32
    %select_n3A_10 = arith.select %eq3A_8, %jit3A, %jit3A_9 : i32
    "tpu.region"() ({
      %run_scoped3A = tpu.sem_alloc : memref<!tpu.dma_semaphore, #tpu.memory_space<semaphore_mem>>
      %dma_start3A = arith.constant 0 : i32
      %dma_start3A_21 = tpu.memref_slice %arg11[%mul3A_0, %dma_start3A] : memref<10112x128xf32, #tpu.memory_space<vmem_shared>> -> memref<632x128xf32, #tpu.memory_space<vmem_shared>>
      %dma_start3A_22 = arith.constant 0 : i32
      %dma_start3A_23 = tpu.memref_slice %arg5[%mul3A_0, %dma_start3A_22] : memref<10112x128xf32, #tpu.memory_space<hbm>> -> memref<632x128xf32, #tpu.memory_space<hbm>>
      tpu.enqueue_dma source(%dma_start3A_23 : memref<632x128xf32, #tpu.memory_space<hbm>>) target(%dma_start3A_21 : memref<632x128xf32, #tpu.memory_space<vmem_shared>>) target_semaphore(%run_scoped3A : memref<!tpu.dma_semaphore, #tpu.memory_space<semaphore_mem>>)
      %dma_wait3A = arith.constant 0 : i32
      %dma_wait3A_24 = tpu.memref_slice %arg11[%mul3A_0, %dma_wait3A] : memref<10112x128xf32, #tpu.memory_space<vmem_shared>> -> memref<632x128xf32, #tpu.memory_space<vmem_shared>>
      %dma_wait3A_25 = arith.constant 0 : i32
      %dma_wait3A_26 = tpu.memref_slice %arg5[%mul3A_0, %dma_wait3A_25] : memref<10112x128xf32, #tpu.memory_space<hbm>> -> memref<632x128xf32, #tpu.memory_space<hbm>>
      tpu.wait_dma2 semaphore(%run_scoped3A : memref<!tpu.dma_semaphore, #tpu.memory_space<semaphore_mem>>) src(%dma_wait3A_26 : memref<632x128xf32, #tpu.memory_space<hbm>>) dst(%dma_wait3A_24 : memref<632x128xf32, #tpu.memory_space<vmem_shared>>)
      tpu.yield
    }) : () -> ()
    %barrier3A = arith.constant 0 : index
    tpu.barrier barrier_id(%barrier3A)
    %while3A = arith.constant 0 : i32
    %while3A_11 = arith.constant 0 : i32
    %while3A_12 = arith.subi %select_n3A_10, %while3A_11 : i32
    %while3A_13 = arith.addi %while3A_11, %while3A_12 : i32
    %while3A_14 = arith.constant 1 : i32
    %while3A_15 = arith.divsi %while3A_12, %while3A_14 : i32
    %while3A_16 = arith.muli %while3A_15, %while3A_14 : i32
    %while3A_17 = arith.addi %while3A_11, %while3A_16 : i32
    %while3A_18 = arith.constant 1 : i32
    scf.for %while3A_21 = %while3A_11 to %while3A_17 step %while3A_18  : i32 {
      %mul3A_22 = arith.constant 40 : i32
      %mul3A_23 = arith.muli %while3A_21, %mul3A_22 : i32
      %add3A_24 = arith.addi %select_n3A, %mul3A_23 : i32
      "tpu.region"() ({
        %run_scoped3A = tpu.sem_alloc : memref<!tpu.dma_semaphore, #tpu.memory_space<semaphore_mem>>
        %dma_start3A_45 = arith.constant 0 : i32
        %dma_start3A_46 = tpu.memref_slice %arg2[%add3A_24, %dma_start3A_45] : memref<2560x128xi32, #tpu.memory_space<hbm>> -> memref<40x128xi32, #tpu.memory_space<hbm>>
        %dma_start3A_47 = arith.constant 0 : i32
        %dma_start3A_48 = tpu.memref_slice %arg2[%add3A_24, %dma_start3A_47] : memref<2560x128xi32, #tpu.memory_space<hbm>> -> memref<40x128xi32, #tpu.memory_space<hbm>>
        tpu.enqueue_dma source(%dma_start3A_48 : memref<40x128xi32, #tpu.memory_space<hbm>>) target(%arg7 : memref<40x128xi32, #tpu.memory_space<vmem>>) target_semaphore(%run_scoped3A : memref<!tpu.dma_semaphore, #tpu.memory_space<semaphore_mem>>)
        %dma_wait3A_49 = arith.constant 0 : i32
        %dma_wait3A_50 = tpu.memref_slice %arg2[%add3A_24, %dma_wait3A_49] : memref<2560x128xi32, #tpu.memory_space<hbm>> -> memref<40x128xi32, #tpu.memory_space<hbm>>
        %dma_wait3A_51 = arith.constant 0 : i32
        %dma_wait3A_52 = tpu.memref_slice %arg2[%add3A_24, %dma_wait3A_51] : memref<2560x128xi32, #tpu.memory_space<hbm>> -> memref<40x128xi32, #tpu.memory_space<hbm>>
        tpu.wait_dma2 semaphore(%run_scoped3A : memref<!tpu.dma_semaphore, #tpu.memory_space<semaphore_mem>>) src(%dma_wait3A_52 : memref<40x128xi32, #tpu.memory_space<hbm>>) dst(%arg7 : memref<40x128xi32, #tpu.memory_space<vmem>>)
        tpu.yield
      }) : () -> ()
      %mul3A_25 = arith.constant 40 : i32
      %mul3A_26 = arith.muli %while3A_21, %mul3A_25 : i32
      %add3A_27 = arith.addi %select_n3A, %mul3A_26 : i32
      "tpu.region"() ({
        %run_scoped3A = tpu.sem_alloc : memref<!tpu.dma_semaphore, #tpu.memory_space<semaphore_mem>>
        %dma_start3A_45 = arith.constant 0 : i32
        %dma_start3A_46 = tpu.memref_slice %arg3[%add3A_27, %dma_start3A_45] : memref<2560x128xi32, #tpu.memory_space<hbm>> -> memref<40x128xi32, #tpu.memory_space<hbm>>
        %dma_start3A_47 = arith.constant 0 : i32
        %dma_start3A_48 = tpu.memref_slice %arg3[%add3A_27, %dma_start3A_47] : memref<2560x128xi32, #tpu.memory_space<hbm>> -> memref<40x128xi32, #tpu.memory_space<hbm>>
        tpu.enqueue_dma source(%dma_start3A_48 : memref<40x128xi32, #tpu.memory_space<hbm>>) target(%arg8 : memref<40x128xi32, #tpu.memory_space<vmem>>) target_semaphore(%run_scoped3A : memref<!tpu.dma_semaphore, #tpu.memory_space<semaphore_mem>>)
        %dma_wait3A_49 = arith.constant 0 : i32
        %dma_wait3A_50 = tpu.memref_slice %arg3[%add3A_27, %dma_wait3A_49] : memref<2560x128xi32, #tpu.memory_space<hbm>> -> memref<40x128xi32, #tpu.memory_space<hbm>>
        %dma_wait3A_51 = arith.constant 0 : i32
        %dma_wait3A_52 = tpu.memref_slice %arg3[%add3A_27, %dma_wait3A_51] : memref<2560x128xi32, #tpu.memory_space<hbm>> -> memref<40x128xi32, #tpu.memory_space<hbm>>
        tpu.wait_dma2 semaphore(%run_scoped3A : memref<!tpu.dma_semaphore, #tpu.memory_space<semaphore_mem>>) src(%dma_wait3A_52 : memref<40x128xi32, #tpu.memory_space<hbm>>) dst(%arg8 : memref<40x128xi32, #tpu.memory_space<vmem>>)
        tpu.yield
      }) : () -> ()
      %dma_start3A = arith.constant 0 : i32
      %dma_start3A_28 = arith.constant 0 : i32
      %dma_start3A_29 = tpu.memref_slice %arg7[%dma_start3A, %dma_start3A_28] : memref<40x128xi32, #tpu.memory_space<vmem>> -> memref<1x128xi32, #tpu.memory_space<vmem>>
      %dma_start3A_30 = tpu.memref_squeeze %dma_start3A_29 : memref<1x128xi32, #tpu.memory_space<vmem>> -> memref<128xi32, #tpu.memory_space<vmem>>
      %dma_start3A_31 = arith.constant 0 : i32
      %dma_start3A_32 = arith.constant 0 : i32
      %dma_start3A_33 = tpu.memref_slice %arg4[%dma_start3A_31, %dma_start3A_32] : memref<10112x128xf32, #tpu.memory_space<hbm>> -> memref<10112x128xf32, #tpu.memory_space<hbm>>
      tpu.enqueue_indirect_dma source(%dma_start3A_33 : memref<10112x128xf32, #tpu.memory_space<hbm>>) target(%arg9 : memref<128x128xf32, #tpu.memory_space<vmem>>) offsets(%dma_start3A_30 : memref<128xi32, #tpu.memory_space<vmem>>) semaphore(%arg12 : memref<!tpu.dma_semaphore, #tpu.memory_space<semaphore_mem>>)
      %scan3A = arith.constant 0 : i32
      %scan3A_34 = arith.constant 0 : i32
      %scan3A_35 = arith.constant 20 : i32
      %scan3A_36 = arith.addi %scan3A_34, %scan3A_35 : i32
      %scan3A_37 = arith.constant 1 : i32
      scf.for %scan3A_45 = %scan3A_34 to %scan3A_36 step %scan3A_37  : i32 {
        %mul3A_46 = arith.constant 2 : i32
        %mul3A_47 = arith.muli %mul3A_46, %scan3A_45 : i32
        %dma_wait3A_48 = arith.constant 0 : i32
        %dma_wait3A_49 = arith.constant 0 : i32
        %dma_wait3A_50 = tpu.memref_slice %arg7[%dma_wait3A_48, %dma_wait3A_49] : memref<40x128xi32, #tpu.memory_space<vmem>> -> memref<1x128xi32, #tpu.memory_space<vmem>>
        %dma_wait3A_51 = tpu.memref_squeeze %dma_wait3A_50 : memref<1x128xi32, #tpu.memory_space<vmem>> -> memref<128xi32, #tpu.memory_space<vmem>>
        %dma_wait3A_52 = arith.constant 0 : i32
        %dma_wait3A_53 = arith.constant 0 : i32
        %dma_wait3A_54 = tpu.memref_slice %arg4[%dma_wait3A_52, %dma_wait3A_53] : memref<10112x128xf32, #tpu.memory_space<hbm>> -> memref<10112x128xf32, #tpu.memory_space<hbm>>
        tpu.wait_indirect_dma semaphore(%arg12 : memref<!tpu.dma_semaphore, #tpu.memory_space<semaphore_mem>>) src(%dma_wait3A_54 : memref<10112x128xf32, #tpu.memory_space<hbm>>) dst(%arg9 : memref<128x128xf32, #tpu.memory_space<vmem>>)
        %gt3A = arith.constant 0 : i32
        %gt3A_55 = arith.cmpi sgt, %scan3A_45, %gt3A : i32
        %convert_element_type3A = arith.extui %gt3A_55 : i1 to i32
        %cond3A = arith.constant 0 : i32
        %cond3A_56 = arith.cmpi ne, %convert_element_type3A, %cond3A : i32
        scf.if %cond3A_56 {
          %dma_wait3A_97 = arith.constant 0 : i32
          %dma_wait3A_98 = arith.constant 0 : i32
          %dma_wait3A_99 = tpu.memref_slice %arg8[%dma_wait3A_97, %dma_wait3A_98] : memref<40x128xi32, #tpu.memory_space<vmem>> -> memref<1x128xi32, #tpu.memory_space<vmem>>
          %dma_wait3A_100 = tpu.memref_squeeze %dma_wait3A_99 : memref<1x128xi32, #tpu.memory_space<vmem>> -> memref<128xi32, #tpu.memory_space<vmem>>
          %dma_wait3A_101 = arith.constant 0 : i32
          %dma_wait3A_102 = arith.constant 0 : i32
          %dma_wait3A_103 = tpu.memref_slice %arg11[%dma_wait3A_101, %dma_wait3A_102] : memref<10112x128xf32, #tpu.memory_space<vmem_shared>> -> memref<10112x128xf32, #tpu.memory_space<vmem_shared>>
          tpu.wait_indirect_dma semaphore(%arg13 : memref<!tpu.dma_semaphore, #tpu.memory_space<semaphore_mem>>) src(%arg10 : memref<128x128xf32, #tpu.memory_space<vmem>>) dst(%dma_wait3A_103 : memref<10112x128xf32, #tpu.memory_space<vmem_shared>>)
        } else {
        }
        %add3A_57 = arith.constant 1 : i32
        %add3A_58 = arith.addi %mul3A_47, %add3A_57 : i32
        %dma_start3A_59 = arith.constant 0 : i32
        %dma_start3A_60 = tpu.memref_slice %arg7[%add3A_58, %dma_start3A_59] : memref<40x128xi32, #tpu.memory_space<vmem>> -> memref<1x128xi32, #tpu.memory_space<vmem>>
        %dma_start3A_61 = tpu.memref_squeeze %dma_start3A_60 : memref<1x128xi32, #tpu.memory_space<vmem>> -> memref<128xi32, #tpu.memory_space<vmem>>
        %dma_start3A_62 = arith.constant 0 : i32
        %dma_start3A_63 = arith.constant 0 : i32
        %dma_start3A_64 = tpu.memref_slice %arg4[%dma_start3A_62, %dma_start3A_63] : memref<10112x128xf32, #tpu.memory_space<hbm>> -> memref<10112x128xf32, #tpu.memory_space<hbm>>
        tpu.enqueue_indirect_dma source(%dma_start3A_64 : memref<10112x128xf32, #tpu.memory_space<hbm>>) target(%arg10 : memref<128x128xf32, #tpu.memory_space<vmem>>) offsets(%dma_start3A_61 : memref<128xi32, #tpu.memory_space<vmem>>) semaphore(%arg12 : memref<!tpu.dma_semaphore, #tpu.memory_space<semaphore_mem>>)
        %dma_start3A_65 = arith.constant 0 : i32
        %dma_start3A_66 = tpu.memref_slice %arg8[%mul3A_47, %dma_start3A_65] : memref<40x128xi32, #tpu.memory_space<vmem>> -> memref<1x128xi32, #tpu.memory_space<vmem>>
        %dma_start3A_67 = tpu.memref_squeeze %dma_start3A_66 : memref<1x128xi32, #tpu.memory_space<vmem>> -> memref<128xi32, #tpu.memory_space<vmem>>
        %dma_start3A_68 = arith.constant 0 : i32
        %dma_start3A_69 = arith.constant 0 : i32
        %dma_start3A_70 = tpu.memref_slice %arg11[%dma_start3A_68, %dma_start3A_69] : memref<10112x128xf32, #tpu.memory_space<vmem_shared>> -> memref<10112x128xf32, #tpu.memory_space<vmem_shared>>
        tpu.enqueue_indirect_dma source(%arg9 : memref<128x128xf32, #tpu.memory_space<vmem>>) target(%dma_start3A_70 : memref<10112x128xf32, #tpu.memory_space<vmem_shared>>) offsets(%dma_start3A_67 : memref<128xi32, #tpu.memory_space<vmem>>) semaphore(%arg13 : memref<!tpu.dma_semaphore, #tpu.memory_space<semaphore_mem>>) {add = true}
        %dma_wait3A_71 = arith.constant 0 : i32
        %dma_wait3A_72 = arith.constant 0 : i32
        %dma_wait3A_73 = tpu.memref_slice %arg7[%dma_wait3A_71, %dma_wait3A_72] : memref<40x128xi32, #tpu.memory_space<vmem>> -> memref<1x128xi32, #tpu.memory_space<vmem>>
        %dma_wait3A_74 = tpu.memref_squeeze %dma_wait3A_73 : memref<1x128xi32, #tpu.memory_space<vmem>> -> memref<128xi32, #tpu.memory_space<vmem>>
        %dma_wait3A_75 = arith.constant 0 : i32
        %dma_wait3A_76 = arith.constant 0 : i32
        %dma_wait3A_77 = tpu.memref_slice %arg4[%dma_wait3A_75, %dma_wait3A_76] : memref<10112x128xf32, #tpu.memory_space<hbm>> -> memref<10112x128xf32, #tpu.memory_space<hbm>>
        tpu.wait_indirect_dma semaphore(%arg12 : memref<!tpu.dma_semaphore, #tpu.memory_space<semaphore_mem>>) src(%dma_wait3A_77 : memref<10112x128xf32, #tpu.memory_space<hbm>>) dst(%arg10 : memref<128x128xf32, #tpu.memory_space<vmem>>)
        %dma_wait3A_78 = arith.constant 0 : i32
        %dma_wait3A_79 = arith.constant 0 : i32
        %dma_wait3A_80 = tpu.memref_slice %arg8[%dma_wait3A_78, %dma_wait3A_79] : memref<40x128xi32, #tpu.memory_space<vmem>> -> memref<1x128xi32, #tpu.memory_space<vmem>>
        %dma_wait3A_81 = tpu.memref_squeeze %dma_wait3A_80 : memref<1x128xi32, #tpu.memory_space<vmem>> -> memref<128xi32, #tpu.memory_space<vmem>>
        %dma_wait3A_82 = arith.constant 0 : i32
        %dma_wait3A_83 = arith.constant 0 : i32
        %dma_wait3A_84 = tpu.memref_slice %arg11[%dma_wait3A_82, %dma_wait3A_83] : memref<10112x128xf32, #tpu.memory_space<vmem_shared>> -> memref<10112x128xf32, #tpu.memory_space<vmem_shared>>
        tpu.wait_indirect_dma semaphore(%arg13 : memref<!tpu.dma_semaphore, #tpu.memory_space<semaphore_mem>>) src(%arg9 : memref<128x128xf32, #tpu.memory_space<vmem>>) dst(%dma_wait3A_84 : memref<10112x128xf32, #tpu.memory_space<vmem_shared>>)
        %lt3A = arith.constant 19 : i32
        %lt3A_85 = arith.cmpi slt, %scan3A_45, %lt3A : i32
        %convert_element_type3A_86 = arith.extui %lt3A_85 : i1 to i32
        %cond3A_87 = arith.constant 0 : i32
        %cond3A_88 = arith.cmpi ne, %convert_element_type3A_86, %cond3A_87 : i32
        scf.if %cond3A_88 {
          %add3A_97 = arith.constant 2 : i32
          %add3A_98 = arith.addi %mul3A_47, %add3A_97 : i32
          %dma_start3A_99 = arith.constant 0 : i32
          %dma_start3A_100 = tpu.memref_slice %arg7[%add3A_98, %dma_start3A_99] : memref<40x128xi32, #tpu.memory_space<vmem>> -> memref<1x128xi32, #tpu.memory_space<vmem>>
          %dma_start3A_101 = tpu.memref_squeeze %dma_start3A_100 : memref<1x128xi32, #tpu.memory_space<vmem>> -> memref<128xi32, #tpu.memory_space<vmem>>
          %dma_start3A_102 = arith.constant 0 : i32
          %dma_start3A_103 = arith.constant 0 : i32
          %dma_start3A_104 = tpu.memref_slice %arg4[%dma_start3A_102, %dma_start3A_103] : memref<10112x128xf32, #tpu.memory_space<hbm>> -> memref<10112x128xf32, #tpu.memory_space<hbm>>
          tpu.enqueue_indirect_dma source(%dma_start3A_104 : memref<10112x128xf32, #tpu.memory_space<hbm>>) target(%arg9 : memref<128x128xf32, #tpu.memory_space<vmem>>) offsets(%dma_start3A_101 : memref<128xi32, #tpu.memory_space<vmem>>) semaphore(%arg12 : memref<!tpu.dma_semaphore, #tpu.memory_space<semaphore_mem>>)
        } else {
        }
        %add3A_89 = arith.constant 1 : i32
        %add3A_90 = arith.addi %mul3A_47, %add3A_89 : i32
        %dma_start3A_91 = arith.constant 0 : i32
        %dma_start3A_92 = tpu.memref_slice %arg8[%add3A_90, %dma_start3A_91] : memref<40x128xi32, #tpu.memory_space<vmem>> -> memref<1x128xi32, #tpu.memory_space<vmem>>
        %dma_start3A_93 = tpu.memref_squeeze %dma_start3A_92 : memref<1x128xi32, #tpu.memory_space<vmem>> -> memref<128xi32, #tpu.memory_space<vmem>>
        %dma_start3A_94 = arith.constant 0 : i32
        %dma_start3A_95 = arith.constant 0 : i32
        %dma_start3A_96 = tpu.memref_slice %arg11[%dma_start3A_94, %dma_start3A_95] : memref<10112x128xf32, #tpu.memory_space<vmem_shared>> -> memref<10112x128xf32, #tpu.memory_space<vmem_shared>>
        tpu.enqueue_indirect_dma source(%arg10 : memref<128x128xf32, #tpu.memory_space<vmem>>) target(%dma_start3A_96 : memref<10112x128xf32, #tpu.memory_space<vmem_shared>>) offsets(%dma_start3A_93 : memref<128xi32, #tpu.memory_space<vmem>>) semaphore(%arg13 : memref<!tpu.dma_semaphore, #tpu.memory_space<semaphore_mem>>) {add = true}
      }
      %scan3A_38 = arith.constant 20 : i32
      %dma_wait3A = arith.constant 0 : i32
      %dma_wait3A_39 = arith.constant 0 : i32
      %dma_wait3A_40 = tpu.memref_slice %arg8[%dma_wait3A, %dma_wait3A_39] : memref<40x128xi32, #tpu.memory_space<vmem>> -> memref<1x128xi32, #tpu.memory_space<vmem>>
      %dma_wait3A_41 = tpu.memref_squeeze %dma_wait3A_40 : memref<1x128xi32, #tpu.memory_space<vmem>> -> memref<128xi32, #tpu.memory_space<vmem>>
      %dma_wait3A_42 = arith.constant 0 : i32
      %dma_wait3A_43 = arith.constant 0 : i32
      %dma_wait3A_44 = tpu.memref_slice %arg11[%dma_wait3A_42, %dma_wait3A_43] : memref<10112x128xf32, #tpu.memory_space<vmem_shared>> -> memref<10112x128xf32, #tpu.memory_space<vmem_shared>>
      tpu.wait_indirect_dma semaphore(%arg13 : memref<!tpu.dma_semaphore, #tpu.memory_space<semaphore_mem>>) src(%arg10 : memref<128x128xf32, #tpu.memory_space<vmem>>) dst(%dma_wait3A_44 : memref<10112x128xf32, #tpu.memory_space<vmem_shared>>)
    }
    %while3A_19 = arith.constant 1 : i32
    scf.for %while3A_21 = %while3A_17 to %while3A_13 step %while3A_19  : i32 {
      %mul3A_22 = arith.constant 40 : i32
      %mul3A_23 = arith.muli %while3A_21, %mul3A_22 : i32
      %add3A_24 = arith.addi %select_n3A, %mul3A_23 : i32
      "tpu.region"() ({
        %run_scoped3A = tpu.sem_alloc : memref<!tpu.dma_semaphore, #tpu.memory_space<semaphore_mem>>
        %dma_start3A_45 = arith.constant 0 : i32
        %dma_start3A_46 = tpu.memref_slice %arg2[%add3A_24, %dma_start3A_45] : memref<2560x128xi32, #tpu.memory_space<hbm>> -> memref<40x128xi32, #tpu.memory_space<hbm>>
        %dma_start3A_47 = arith.constant 0 : i32
        %dma_start3A_48 = tpu.memref_slice %arg2[%add3A_24, %dma_start3A_47] : memref<2560x128xi32, #tpu.memory_space<hbm>> -> memref<40x128xi32, #tpu.memory_space<hbm>>
        tpu.enqueue_dma source(%dma_start3A_48 : memref<40x128xi32, #tpu.memory_space<hbm>>) target(%arg7 : memref<40x128xi32, #tpu.memory_space<vmem>>) target_semaphore(%run_scoped3A : memref<!tpu.dma_semaphore, #tpu.memory_space<semaphore_mem>>)
        %dma_wait3A_49 = arith.constant 0 : i32
        %dma_wait3A_50 = tpu.memref_slice %arg2[%add3A_24, %dma_wait3A_49] : memref<2560x128xi32, #tpu.memory_space<hbm>> -> memref<40x128xi32, #tpu.memory_space<hbm>>
        %dma_wait3A_51 = arith.constant 0 : i32
        %dma_wait3A_52 = tpu.memref_slice %arg2[%add3A_24, %dma_wait3A_51] : memref<2560x128xi32, #tpu.memory_space<hbm>> -> memref<40x128xi32, #tpu.memory_space<hbm>>
        tpu.wait_dma2 semaphore(%run_scoped3A : memref<!tpu.dma_semaphore, #tpu.memory_space<semaphore_mem>>) src(%dma_wait3A_52 : memref<40x128xi32, #tpu.memory_space<hbm>>) dst(%arg7 : memref<40x128xi32, #tpu.memory_space<vmem>>)
        tpu.yield
      }) : () -> ()
      %mul3A_25 = arith.constant 40 : i32
      %mul3A_26 = arith.muli %while3A_21, %mul3A_25 : i32
      %add3A_27 = arith.addi %select_n3A, %mul3A_26 : i32
      "tpu.region"() ({
        %run_scoped3A = tpu.sem_alloc : memref<!tpu.dma_semaphore, #tpu.memory_space<semaphore_mem>>
        %dma_start3A_45 = arith.constant 0 : i32
        %dma_start3A_46 = tpu.memref_slice %arg3[%add3A_27, %dma_start3A_45] : memref<2560x128xi32, #tpu.memory_space<hbm>> -> memref<40x128xi32, #tpu.memory_space<hbm>>
        %dma_start3A_47 = arith.constant 0 : i32
        %dma_start3A_48 = tpu.memref_slice %arg3[%add3A_27, %dma_start3A_47] : memref<2560x128xi32, #tpu.memory_space<hbm>> -> memref<40x128xi32, #tpu.memory_space<hbm>>
        tpu.enqueue_dma source(%dma_start3A_48 : memref<40x128xi32, #tpu.memory_space<hbm>>) target(%arg8 : memref<40x128xi32, #tpu.memory_space<vmem>>) target_semaphore(%run_scoped3A : memref<!tpu.dma_semaphore, #tpu.memory_space<semaphore_mem>>)
        %dma_wait3A_49 = arith.constant 0 : i32
        %dma_wait3A_50 = tpu.memref_slice %arg3[%add3A_27, %dma_wait3A_49] : memref<2560x128xi32, #tpu.memory_space<hbm>> -> memref<40x128xi32, #tpu.memory_space<hbm>>
        %dma_wait3A_51 = arith.constant 0 : i32
        %dma_wait3A_52 = tpu.memref_slice %arg3[%add3A_27, %dma_wait3A_51] : memref<2560x128xi32, #tpu.memory_space<hbm>> -> memref<40x128xi32, #tpu.memory_space<hbm>>
        tpu.wait_dma2 semaphore(%run_scoped3A : memref<!tpu.dma_semaphore, #tpu.memory_space<semaphore_mem>>) src(%dma_wait3A_52 : memref<40x128xi32, #tpu.memory_space<hbm>>) dst(%arg8 : memref<40x128xi32, #tpu.memory_space<vmem>>)
        tpu.yield
      }) : () -> ()
      %dma_start3A = arith.constant 0 : i32
      %dma_start3A_28 = arith.constant 0 : i32
      %dma_start3A_29 = tpu.memref_slice %arg7[%dma_start3A, %dma_start3A_28] : memref<40x128xi32, #tpu.memory_space<vmem>> -> memref<1x128xi32, #tpu.memory_space<vmem>>
      %dma_start3A_30 = tpu.memref_squeeze %dma_start3A_29 : memref<1x128xi32, #tpu.memory_space<vmem>> -> memref<128xi32, #tpu.memory_space<vmem>>
      %dma_start3A_31 = arith.constant 0 : i32
      %dma_start3A_32 = arith.constant 0 : i32
      %dma_start3A_33 = tpu.memref_slice %arg4[%dma_start3A_31, %dma_start3A_32] : memref<10112x128xf32, #tpu.memory_space<hbm>> -> memref<10112x128xf32, #tpu.memory_space<hbm>>
      tpu.enqueue_indirect_dma source(%dma_start3A_33 : memref<10112x128xf32, #tpu.memory_space<hbm>>) target(%arg9 : memref<128x128xf32, #tpu.memory_space<vmem>>) offsets(%dma_start3A_30 : memref<128xi32, #tpu.memory_space<vmem>>) semaphore(%arg12 : memref<!tpu.dma_semaphore, #tpu.memory_space<semaphore_mem>>)
      %scan3A = arith.constant 0 : i32
      %scan3A_34 = arith.constant 0 : i32
      %scan3A_35 = arith.constant 20 : i32
      %scan3A_36 = arith.addi %scan3A_34, %scan3A_35 : i32
      %scan3A_37 = arith.constant 1 : i32
      scf.for %scan3A_45 = %scan3A_34 to %scan3A_36 step %scan3A_37  : i32 {
        %mul3A_46 = arith.constant 2 : i32
        %mul3A_47 = arith.muli %mul3A_46, %scan3A_45 : i32
        %dma_wait3A_48 = arith.constant 0 : i32
        %dma_wait3A_49 = arith.constant 0 : i32
        %dma_wait3A_50 = tpu.memref_slice %arg7[%dma_wait3A_48, %dma_wait3A_49] : memref<40x128xi32, #tpu.memory_space<vmem>> -> memref<1x128xi32, #tpu.memory_space<vmem>>
        %dma_wait3A_51 = tpu.memref_squeeze %dma_wait3A_50 : memref<1x128xi32, #tpu.memory_space<vmem>> -> memref<128xi32, #tpu.memory_space<vmem>>
        %dma_wait3A_52 = arith.constant 0 : i32
        %dma_wait3A_53 = arith.constant 0 : i32
        %dma_wait3A_54 = tpu.memref_slice %arg4[%dma_wait3A_52, %dma_wait3A_53] : memref<10112x128xf32, #tpu.memory_space<hbm>> -> memref<10112x128xf32, #tpu.memory_space<hbm>>
        tpu.wait_indirect_dma semaphore(%arg12 : memref<!tpu.dma_semaphore, #tpu.memory_space<semaphore_mem>>) src(%dma_wait3A_54 : memref<10112x128xf32, #tpu.memory_space<hbm>>) dst(%arg9 : memref<128x128xf32, #tpu.memory_space<vmem>>)
        %gt3A = arith.constant 0 : i32
        %gt3A_55 = arith.cmpi sgt, %scan3A_45, %gt3A : i32
        %convert_element_type3A = arith.extui %gt3A_55 : i1 to i32
        %cond3A = arith.constant 0 : i32
        %cond3A_56 = arith.cmpi ne, %convert_element_type3A, %cond3A : i32
        scf.if %cond3A_56 {
          %dma_wait3A_97 = arith.constant 0 : i32
          %dma_wait3A_98 = arith.constant 0 : i32
          %dma_wait3A_99 = tpu.memref_slice %arg8[%dma_wait3A_97, %dma_wait3A_98] : memref<40x128xi32, #tpu.memory_space<vmem>> -> memref<1x128xi32, #tpu.memory_space<vmem>>
          %dma_wait3A_100 = tpu.memref_squeeze %dma_wait3A_99 : memref<1x128xi32, #tpu.memory_space<vmem>> -> memref<128xi32, #tpu.memory_space<vmem>>
          %dma_wait3A_101 = arith.constant 0 : i32
          %dma_wait3A_102 = arith.constant 0 : i32
          %dma_wait3A_103 = tpu.memref_slice %arg11[%dma_wait3A_101, %dma_wait3A_102] : memref<10112x128xf32, #tpu.memory_space<vmem_shared>> -> memref<10112x128xf32, #tpu.memory_space<vmem_shared>>
          tpu.wait_indirect_dma semaphore(%arg13 : memref<!tpu.dma_semaphore, #tpu.memory_space<semaphore_mem>>) src(%arg10 : memref<128x128xf32, #tpu.memory_space<vmem>>) dst(%dma_wait3A_103 : memref<10112x128xf32, #tpu.memory_space<vmem_shared>>)
        } else {
        }
        %add3A_57 = arith.constant 1 : i32
        %add3A_58 = arith.addi %mul3A_47, %add3A_57 : i32
        %dma_start3A_59 = arith.constant 0 : i32
        %dma_start3A_60 = tpu.memref_slice %arg7[%add3A_58, %dma_start3A_59] : memref<40x128xi32, #tpu.memory_space<vmem>> -> memref<1x128xi32, #tpu.memory_space<vmem>>
        %dma_start3A_61 = tpu.memref_squeeze %dma_start3A_60 : memref<1x128xi32, #tpu.memory_space<vmem>> -> memref<128xi32, #tpu.memory_space<vmem>>
        %dma_start3A_62 = arith.constant 0 : i32
        %dma_start3A_63 = arith.constant 0 : i32
        %dma_start3A_64 = tpu.memref_slice %arg4[%dma_start3A_62, %dma_start3A_63] : memref<10112x128xf32, #tpu.memory_space<hbm>> -> memref<10112x128xf32, #tpu.memory_space<hbm>>
        tpu.enqueue_indirect_dma source(%dma_start3A_64 : memref<10112x128xf32, #tpu.memory_space<hbm>>) target(%arg10 : memref<128x128xf32, #tpu.memory_space<vmem>>) offsets(%dma_start3A_61 : memref<128xi32, #tpu.memory_space<vmem>>) semaphore(%arg12 : memref<!tpu.dma_semaphore, #tpu.memory_space<semaphore_mem>>)
        %dma_start3A_65 = arith.constant 0 : i32
        %dma_start3A_66 = tpu.memref_slice %arg8[%mul3A_47, %dma_start3A_65] : memref<40x128xi32, #tpu.memory_space<vmem>> -> memref<1x128xi32, #tpu.memory_space<vmem>>
        %dma_start3A_67 = tpu.memref_squeeze %dma_start3A_66 : memref<1x128xi32, #tpu.memory_space<vmem>> -> memref<128xi32, #tpu.memory_space<vmem>>
        %dma_start3A_68 = arith.constant 0 : i32
        %dma_start3A_69 = arith.constant 0 : i32
        %dma_start3A_70 = tpu.memref_slice %arg11[%dma_start3A_68, %dma_start3A_69] : memref<10112x128xf32, #tpu.memory_space<vmem_shared>> -> memref<10112x128xf32, #tpu.memory_space<vmem_shared>>
        tpu.enqueue_indirect_dma source(%arg9 : memref<128x128xf32, #tpu.memory_space<vmem>>) target(%dma_start3A_70 : memref<10112x128xf32, #tpu.memory_space<vmem_shared>>) offsets(%dma_start3A_67 : memref<128xi32, #tpu.memory_space<vmem>>) semaphore(%arg13 : memref<!tpu.dma_semaphore, #tpu.memory_space<semaphore_mem>>) {add = true}
        %dma_wait3A_71 = arith.constant 0 : i32
        %dma_wait3A_72 = arith.constant 0 : i32
        %dma_wait3A_73 = tpu.memref_slice %arg7[%dma_wait3A_71, %dma_wait3A_72] : memref<40x128xi32, #tpu.memory_space<vmem>> -> memref<1x128xi32, #tpu.memory_space<vmem>>
        %dma_wait3A_74 = tpu.memref_squeeze %dma_wait3A_73 : memref<1x128xi32, #tpu.memory_space<vmem>> -> memref<128xi32, #tpu.memory_space<vmem>>
        %dma_wait3A_75 = arith.constant 0 : i32
        %dma_wait3A_76 = arith.constant 0 : i32
        %dma_wait3A_77 = tpu.memref_slice %arg4[%dma_wait3A_75, %dma_wait3A_76] : memref<10112x128xf32, #tpu.memory_space<hbm>> -> memref<10112x128xf32, #tpu.memory_space<hbm>>
        tpu.wait_indirect_dma semaphore(%arg12 : memref<!tpu.dma_semaphore, #tpu.memory_space<semaphore_mem>>) src(%dma_wait3A_77 : memref<10112x128xf32, #tpu.memory_space<hbm>>) dst(%arg10 : memref<128x128xf32, #tpu.memory_space<vmem>>)
        %dma_wait3A_78 = arith.constant 0 : i32
        %dma_wait3A_79 = arith.constant 0 : i32
        %dma_wait3A_80 = tpu.memref_slice %arg8[%dma_wait3A_78, %dma_wait3A_79] : memref<40x128xi32, #tpu.memory_space<vmem>> -> memref<1x128xi32, #tpu.memory_space<vmem>>
        %dma_wait3A_81 = tpu.memref_squeeze %dma_wait3A_80 : memref<1x128xi32, #tpu.memory_space<vmem>> -> memref<128xi32, #tpu.memory_space<vmem>>
        %dma_wait3A_82 = arith.constant 0 : i32
        %dma_wait3A_83 = arith.constant 0 : i32
        %dma_wait3A_84 = tpu.memref_slice %arg11[%dma_wait3A_82, %dma_wait3A_83] : memref<10112x128xf32, #tpu.memory_space<vmem_shared>> -> memref<10112x128xf32, #tpu.memory_space<vmem_shared>>
        tpu.wait_indirect_dma semaphore(%arg13 : memref<!tpu.dma_semaphore, #tpu.memory_space<semaphore_mem>>) src(%arg9 : memref<128x128xf32, #tpu.memory_space<vmem>>) dst(%dma_wait3A_84 : memref<10112x128xf32, #tpu.memory_space<vmem_shared>>)
        %lt3A = arith.constant 19 : i32
        %lt3A_85 = arith.cmpi slt, %scan3A_45, %lt3A : i32
        %convert_element_type3A_86 = arith.extui %lt3A_85 : i1 to i32
        %cond3A_87 = arith.constant 0 : i32
        %cond3A_88 = arith.cmpi ne, %convert_element_type3A_86, %cond3A_87 : i32
        scf.if %cond3A_88 {
          %add3A_97 = arith.constant 2 : i32
          %add3A_98 = arith.addi %mul3A_47, %add3A_97 : i32
          %dma_start3A_99 = arith.constant 0 : i32
          %dma_start3A_100 = tpu.memref_slice %arg7[%add3A_98, %dma_start3A_99] : memref<40x128xi32, #tpu.memory_space<vmem>> -> memref<1x128xi32, #tpu.memory_space<vmem>>
          %dma_start3A_101 = tpu.memref_squeeze %dma_start3A_100 : memref<1x128xi32, #tpu.memory_space<vmem>> -> memref<128xi32, #tpu.memory_space<vmem>>
          %dma_start3A_102 = arith.constant 0 : i32
          %dma_start3A_103 = arith.constant 0 : i32
          %dma_start3A_104 = tpu.memref_slice %arg4[%dma_start3A_102, %dma_start3A_103] : memref<10112x128xf32, #tpu.memory_space<hbm>> -> memref<10112x128xf32, #tpu.memory_space<hbm>>
          tpu.enqueue_indirect_dma source(%dma_start3A_104 : memref<10112x128xf32, #tpu.memory_space<hbm>>) target(%arg9 : memref<128x128xf32, #tpu.memory_space<vmem>>) offsets(%dma_start3A_101 : memref<128xi32, #tpu.memory_space<vmem>>) semaphore(%arg12 : memref<!tpu.dma_semaphore, #tpu.memory_space<semaphore_mem>>)
        } else {
        }
        %add3A_89 = arith.constant 1 : i32
        %add3A_90 = arith.addi %mul3A_47, %add3A_89 : i32
        %dma_start3A_91 = arith.constant 0 : i32
        %dma_start3A_92 = tpu.memref_slice %arg8[%add3A_90, %dma_start3A_91] : memref<40x128xi32, #tpu.memory_space<vmem>> -> memref<1x128xi32, #tpu.memory_space<vmem>>
        %dma_start3A_93 = tpu.memref_squeeze %dma_start3A_92 : memref<1x128xi32, #tpu.memory_space<vmem>> -> memref<128xi32, #tpu.memory_space<vmem>>
        %dma_start3A_94 = arith.constant 0 : i32
        %dma_start3A_95 = arith.constant 0 : i32
        %dma_start3A_96 = tpu.memref_slice %arg11[%dma_start3A_94, %dma_start3A_95] : memref<10112x128xf32, #tpu.memory_space<vmem_shared>> -> memref<10112x128xf32, #tpu.memory_space<vmem_shared>>
        tpu.enqueue_indirect_dma source(%arg10 : memref<128x128xf32, #tpu.memory_space<vmem>>) target(%dma_start3A_96 : memref<10112x128xf32, #tpu.memory_space<vmem_shared>>) offsets(%dma_start3A_93 : memref<128xi32, #tpu.memory_space<vmem>>) semaphore(%arg13 : memref<!tpu.dma_semaphore, #tpu.memory_space<semaphore_mem>>) {add = true}
      }
      %scan3A_38 = arith.constant 20 : i32
      %dma_wait3A = arith.constant 0 : i32
      %dma_wait3A_39 = arith.constant 0 : i32
      %dma_wait3A_40 = tpu.memref_slice %arg8[%dma_wait3A, %dma_wait3A_39] : memref<40x128xi32, #tpu.memory_space<vmem>> -> memref<1x128xi32, #tpu.memory_space<vmem>>
      %dma_wait3A_41 = tpu.memref_squeeze %dma_wait3A_40 : memref<1x128xi32, #tpu.memory_space<vmem>> -> memref<128xi32, #tpu.memory_space<vmem>>
      %dma_wait3A_42 = arith.constant 0 : i32
      %dma_wait3A_43 = arith.constant 0 : i32
      %dma_wait3A_44 = tpu.memref_slice %arg11[%dma_wait3A_42, %dma_wait3A_43] : memref<10112x128xf32, #tpu.memory_space<vmem_shared>> -> memref<10112x128xf32, #tpu.memory_space<vmem_shared>>
      tpu.wait_indirect_dma semaphore(%arg13 : memref<!tpu.dma_semaphore, #tpu.memory_space<semaphore_mem>>) src(%arg10 : memref<128x128xf32, #tpu.memory_space<vmem>>) dst(%dma_wait3A_44 : memref<10112x128xf32, #tpu.memory_space<vmem_shared>>)
    }
    %barrier3A_20 = arith.constant 0 : index
    tpu.barrier barrier_id(%barrier3A_20)
    "tpu.region"() ({
      %run_scoped3A = tpu.sem_alloc : memref<!tpu.dma_semaphore, #tpu.memory_space<semaphore_mem>>
      %dma_start3A = arith.constant 0 : i32
      %dma_start3A_21 = tpu.memref_slice %arg6[%arg0, %mul3A_0, %dma_start3A] : memref<2x10112x128xf32, #tpu.memory_space<hbm>> -> memref<1x632x128xf32, #tpu.memory_space<hbm>>
      %dma_start3A_22 = tpu.memref_squeeze %dma_start3A_21 : memref<1x632x128xf32, #tpu.memory_space<hbm>> -> memref<632x128xf32, #tpu.memory_space<hbm>>
      %dma_start3A_23 = arith.constant 0 : i32
      %dma_start3A_24 = tpu.memref_slice %arg11[%mul3A_0, %dma_start3A_23] : memref<10112x128xf32, #tpu.memory_space<vmem_shared>> -> memref<632x128xf32, #tpu.memory_space<vmem_shared>>
      tpu.enqueue_dma source(%dma_start3A_24 : memref<632x128xf32, #tpu.memory_space<vmem_shared>>) target(%dma_start3A_22 : memref<632x128xf32, #tpu.memory_space<hbm>>) target_semaphore(%run_scoped3A : memref<!tpu.dma_semaphore, #tpu.memory_space<semaphore_mem>>)
      %dma_wait3A = arith.constant 0 : i32
      %dma_wait3A_25 = tpu.memref_slice %arg6[%arg0, %mul3A_0, %dma_wait3A] : memref<2x10112x128xf32, #tpu.memory_space<hbm>> -> memref<1x632x128xf32, #tpu.memory_space<hbm>>
      %dma_wait3A_26 = tpu.memref_squeeze %dma_wait3A_25 : memref<1x632x128xf32, #tpu.memory_space<hbm>> -> memref<632x128xf32, #tpu.memory_space<hbm>>
      %dma_wait3A_27 = arith.constant 0 : i32
      %dma_wait3A_28 = tpu.memref_slice %arg11[%mul3A_0, %dma_wait3A_27] : memref<10112x128xf32, #tpu.memory_space<vmem_shared>> -> memref<632x128xf32, #tpu.memory_space<vmem_shared>>
      tpu.wait_dma2 semaphore(%run_scoped3A : memref<!tpu.dma_semaphore, #tpu.memory_space<semaphore_mem>>) src(%dma_wait3A_28 : memref<632x128xf32, #tpu.memory_space<vmem_shared>>) dst(%dma_wait3A_26 : memref<632x128xf32, #tpu.memory_space<hbm>>)
      tpu.yield
    }) : () -> ()
    return
  }
}

module attributes {stable_mosaic.version = 14 : i64} {
  func.func @_prep_body(%arg0: i32, %arg1: memref<2x2528x128xf32, #tpu.memory_space<vmem>>, %arg2: memref<2528x128xf32, #tpu.memory_space<vmem>>, %arg3: memref<2528x128xf32, #tpu.memory_space<vmem>>, %arg4: memref<2528x128xf32, #tpu.memory_space<vmem>>) attributes {dimension_semantics = [#tpu.dimension_semantics<arbitrary>], iteration_bounds = array<i64: 4>, scalar_prefetch = 0 : i64, scratch_operands = 0 : i64, tpu.core_type = #tpu.core_type<tc>, window_params = [{transform_indices = @transform_0, window_bounds = array<i64: 2, 2528, 128>}, {transform_indices = @transform_1, window_bounds = array<i64: 2528, 128>}, {transform_indices = @transform_2, window_bounds = array<i64: 2528, 128>}, {transform_indices = @transform_3, window_bounds = array<i64: 2528, 128>}]} {
    %get3A = arith.constant 0 : index
    %get3A_0 = arith.constant 0 : index
    %get3A_1 = arith.constant 0 : index
    %get3A_2 = vector.load %arg1[%get3A, %get3A_0, %get3A_1] : memref<2x2528x128xf32, #tpu.memory_space<vmem>>, vector<1x2528x128xf32>
    %get3A_3 = vector.shape_cast %get3A_2 : vector<1x2528x128xf32> to vector<2528x128xf32>
    %get3A_4 = arith.constant 1 : index
    %get3A_5 = arith.constant 0 : index
    %get3A_6 = arith.constant 0 : index
    %get3A_7 = vector.load %arg1[%get3A_4, %get3A_5, %get3A_6] : memref<2x2528x128xf32, #tpu.memory_space<vmem>>, vector<1x2528x128xf32>
    %get3A_8 = vector.shape_cast %get3A_7 : vector<1x2528x128xf32> to vector<2528x128xf32>
    %add3A = arith.addf %get3A_3, %get3A_8 : vector<2528x128xf32>
    %add3A_9 = arith.constant 1.000000e+00 : f32
    %add3A_10 = vector.broadcast %add3A_9 : f32 to vector<2528x128xf32>
    %add3A_11 = arith.addf %add3A, %add3A_10 : vector<2528x128xf32>
    %max3A = arith.constant 1.000000e+00 : f32
    %max3A_12 = vector.broadcast %max3A : f32 to vector<2528x128xf32>
    %max3A_13 = arith.maximumf %add3A_11, %max3A_12 : vector<2528x128xf32>
    %rsqrt3A = math.rsqrt %max3A_13 : vector<2528x128xf32>
    %swap3A = arith.constant 0 : index
    %swap3A_14 = arith.constant 0 : index
    %swap3A_15 = vector.load %arg3[%swap3A, %swap3A_14] : memref<2528x128xf32, #tpu.memory_space<vmem>>, vector<2528x128xf32>
    tpu.vector_store %arg3[%swap3A, %swap3A_14], %rsqrt3A {strides = array<i32>} : memref<2528x128xf32, #tpu.memory_space<vmem>>, vector<2528x128xf32>,
    %get3A_16 = arith.constant 0 : index
    %get3A_17 = arith.constant 0 : index
    %get3A_18 = vector.load %arg2[%get3A_16, %get3A_17] : memref<2528x128xf32, #tpu.memory_space<vmem>>, vector<2528x128xf32>
    %mul3A = arith.mulf %rsqrt3A, %get3A_18 : vector<2528x128xf32>
    %swap3A_19 = arith.constant 0 : index
    %swap3A_20 = arith.constant 0 : index
    %swap3A_21 = vector.load %arg4[%swap3A_19, %swap3A_20] : memref<2528x128xf32, #tpu.memory_space<vmem>>, vector<2528x128xf32>
    tpu.vector_store %arg4[%swap3A_19, %swap3A_20], %mul3A {strides = array<i32>} : memref<2528x128xf32, #tpu.memory_space<vmem>>, vector<2528x128xf32>,
    return
  }
  func.func @transform_0(%arg0: i32) -> (i32, i32, i32) {
    %c0_i32 = arith.constant 0 : i32
    %c0_i32_0 = arith.constant 0 : i32
    %c0_i32_1 = arith.constant 0 : i32
    return %c0_i32, %arg0, %c0_i32_0 : i32, i32, i32
  }
  func.func @transform_1(%arg0: i32) -> (i32, i32) {
    %c0_i32 = arith.constant 0 : i32
    %c0_i32_0 = arith.constant 0 : i32
    return %arg0, %c0_i32 : i32, i32
  }
  func.func @transform_2(%arg0: i32) -> (i32, i32) {
    %c0_i32 = arith.constant 0 : i32
    %c0_i32_0 = arith.constant 0 : i32
    return %arg0, %c0_i32 : i32, i32
  }
  func.func @transform_3(%arg0: i32) -> (i32, i32) {
    %c0_i32 = arith.constant 0 : i32
    %c0_i32_0 = arith.constant 0 : i32
    return %arg0, %c0_i32 : i32, i32
  }
}

module attributes {stable_mosaic.version = 14 : i64} {
  func.func @_lin1_body(%arg0: i32, %arg1: memref<2x2528x128xf32, #tpu.memory_space<vmem>>, %arg2: memref<2528x128xf32, #tpu.memory_space<vmem>>, %arg3: memref<2528x128xf32, #tpu.memory_space<vmem>>, %arg4: memref<128x128xf32, #tpu.memory_space<vmem>>, %arg5: memref<1x128xf32, #tpu.memory_space<vmem>>, %arg6: memref<2528x128xf32, #tpu.memory_space<vmem>>, %arg7: memref<2528x128xf32, #tpu.memory_space<vmem>>) attributes {dimension_semantics = [#tpu.dimension_semantics<arbitrary>], iteration_bounds = array<i64: 4>, scalar_prefetch = 0 : i64, scratch_operands = 0 : i64, tpu.core_type = #tpu.core_type<tc>, window_params = [{transform_indices = @transform_0, window_bounds = array<i64: 2, 2528, 128>}, {transform_indices = @transform_1, window_bounds = array<i64: 2528, 128>}, {transform_indices = @transform_2, window_bounds = array<i64: 2528, 128>}, {pipeline_mode = #tpu.pipeline_mode<synchronous>, transform_indices = @transform_3, window_bounds = array<i64: 128, 128>}, {pipeline_mode = #tpu.pipeline_mode<synchronous>, transform_indices = @transform_4, window_bounds = array<i64: 1, 128>}, {transform_indices = @transform_5, window_bounds = array<i64: 2528, 128>}, {transform_indices = @transform_6, window_bounds = array<i64: 2528, 128>}]} {
    %get3A = arith.constant 0 : index
    %get3A_0 = arith.constant 0 : index
    %get3A_1 = vector.load %arg3[%get3A, %get3A_0] : memref<2528x128xf32, #tpu.memory_space<vmem>>, vector<2528x128xf32>
    %get3A_2 = arith.constant 0 : index
    %get3A_3 = arith.constant 0 : index
    %get3A_4 = arith.constant 0 : index
    %get3A_5 = vector.load %arg1[%get3A_2, %get3A_3, %get3A_4] : memref<2x2528x128xf32, #tpu.memory_space<vmem>>, vector<1x2528x128xf32>
    %get3A_6 = vector.shape_cast %get3A_5 : vector<1x2528x128xf32> to vector<2528x128xf32>
    %get3A_7 = arith.constant 1 : index
    %get3A_8 = arith.constant 0 : index
    %get3A_9 = arith.constant 0 : index
    %get3A_10 = vector.load %arg1[%get3A_7, %get3A_8, %get3A_9] : memref<2x2528x128xf32, #tpu.memory_space<vmem>>, vector<1x2528x128xf32>
    %get3A_11 = vector.shape_cast %get3A_10 : vector<1x2528x128xf32> to vector<2528x128xf32>
    %add3A = arith.addf %get3A_6, %get3A_11 : vector<2528x128xf32>
    %get3A_12 = arith.constant 0 : index
    %get3A_13 = arith.constant 0 : index
    %get3A_14 = vector.load %arg2[%get3A_12, %get3A_13] : memref<2528x128xf32, #tpu.memory_space<vmem>>, vector<2528x128xf32>
    %add3A_15 = arith.addf %add3A, %get3A_14 : vector<2528x128xf32>
    %mul3A = arith.mulf %get3A_1, %add3A_15 : vector<2528x128xf32>
    %get3A_16 = arith.constant 0 : index
    %get3A_17 = arith.constant 0 : index
    %get3A_18 = vector.load %arg4[%get3A_16, %get3A_17] : memref<128x128xf32, #tpu.memory_space<vmem>>, vector<128x128xf32>
    %dot_general3A = arith.constant dense<0.000000e+00> : vector<2528x128xf32>
    %dot_general3A_19 = tpu.matmul %mul3A, %get3A_18, %dot_general3A {dimension_numbers = #tpu.dot_dimension_numbers<[1], [0], [0], [1], [0, 0, 1, 1], [], []>, transpose_lhs_hint = false} : vector<2528x128xf32>, vector<128x128xf32>, vector<2528x128xf32> -> vector<2528x128xf32>
    %get3A_20 = arith.constant 0 : index
    %get3A_21 = arith.constant 0 : index
    %get3A_22 = vector.load %arg5[%get3A_20, %get3A_21] : memref<1x128xf32, #tpu.memory_space<vmem>>, vector<1x128xf32>
    %add3A_23 = vector.broadcast %get3A_22 : vector<1x128xf32> to vector<2528x128xf32>
    %add3A_24 = arith.addf %dot_general3A_19, %add3A_23 : vector<2528x128xf32>
    %max3A = arith.constant 0.000000e+00 : f32
    %max3A_25 = vector.broadcast %max3A : f32 to vector<2528x128xf32>
    %max3A_26 = arith.maximumf %add3A_24, %max3A_25 : vector<2528x128xf32>
    %swap3A = arith.constant 0 : index
    %swap3A_27 = arith.constant 0 : index
    %swap3A_28 = vector.load %arg6[%swap3A, %swap3A_27] : memref<2528x128xf32, #tpu.memory_space<vmem>>, vector<2528x128xf32>
    tpu.vector_store %arg6[%swap3A, %swap3A_27], %max3A_26 {strides = array<i32>} : memref<2528x128xf32, #tpu.memory_space<vmem>>, vector<2528x128xf32>,
    %mul3A_29 = arith.mulf %get3A_1, %max3A_26 : vector<2528x128xf32>
    %swap3A_30 = arith.constant 0 : index
    %swap3A_31 = arith.constant 0 : index
    %swap3A_32 = vector.load %arg7[%swap3A_30, %swap3A_31] : memref<2528x128xf32, #tpu.memory_space<vmem>>, vector<2528x128xf32>
    tpu.vector_store %arg7[%swap3A_30, %swap3A_31], %mul3A_29 {strides = array<i32>} : memref<2528x128xf32, #tpu.memory_space<vmem>>, vector<2528x128xf32>,
    return
  }
  func.func @transform_0(%arg0: i32) -> (i32, i32, i32) {
    %c0_i32 = arith.constant 0 : i32
    %c0_i32_0 = arith.constant 0 : i32
    %c0_i32_1 = arith.constant 0 : i32
    return %c0_i32, %arg0, %c0_i32_0 : i32, i32, i32
  }
  func.func @transform_1(%arg0: i32) -> (i32, i32) {
    %c0_i32 = arith.constant 0 : i32
    %c0_i32_0 = arith.constant 0 : i32
    return %arg0, %c0_i32 : i32, i32
  }
  func.func @transform_2(%arg0: i32) -> (i32, i32) {
    %c0_i32 = arith.constant 0 : i32
    %c0_i32_0 = arith.constant 0 : i32
    return %arg0, %c0_i32 : i32, i32
  }
  func.func @transform_3(%arg0: i32) -> (i32, i32) {
    %c0_i32 = arith.constant 0 : i32
    %c0_i32_0 = arith.constant 0 : i32
    %c0_i32_1 = arith.constant 0 : i32
    return %c0_i32, %c0_i32_0 : i32, i32
  }
  func.func @transform_4(%arg0: i32) -> (i32, i32) {
    %c0_i32 = arith.constant 0 : i32
    %c0_i32_0 = arith.constant 0 : i32
    %c0_i32_1 = arith.constant 0 : i32
    return %c0_i32, %c0_i32_0 : i32, i32
  }
  func.func @transform_5(%arg0: i32) -> (i32, i32) {
    %c0_i32 = arith.constant 0 : i32
    %c0_i32_0 = arith.constant 0 : i32
    return %arg0, %c0_i32 : i32, i32
  }
  func.func @transform_6(%arg0: i32) -> (i32, i32) {
    %c0_i32 = arith.constant 0 : i32
    %c0_i32_0 = arith.constant 0 : i32
    return %arg0, %c0_i32 : i32, i32
  }
}

module attributes {stable_mosaic.version = 14 : i64} {
  func.func @_lin2_body(%arg0: i32, %arg1: memref<2x2528x128xf32, #tpu.memory_space<vmem>>, %arg2: memref<2528x128xf32, #tpu.memory_space<vmem>>, %arg3: memref<2528x128xf32, #tpu.memory_space<vmem>>, %arg4: memref<128x128xf32, #tpu.memory_space<vmem>>, %arg5: memref<1x128xf32, #tpu.memory_space<vmem>>, %arg6: memref<2528x128xf32, #tpu.memory_space<vmem>>) attributes {dimension_semantics = [#tpu.dimension_semantics<arbitrary>], iteration_bounds = array<i64: 4>, scalar_prefetch = 0 : i64, scratch_operands = 0 : i64, tpu.core_type = #tpu.core_type<tc>, window_params = [{transform_indices = @transform_0, window_bounds = array<i64: 2, 2528, 128>}, {transform_indices = @transform_1, window_bounds = array<i64: 2528, 128>}, {transform_indices = @transform_2, window_bounds = array<i64: 2528, 128>}, {pipeline_mode = #tpu.pipeline_mode<synchronous>, transform_indices = @transform_3, window_bounds = array<i64: 128, 128>}, {pipeline_mode = #tpu.pipeline_mode<synchronous>, transform_indices = @transform_4, window_bounds = array<i64: 1, 128>}, {transform_indices = @transform_5, window_bounds = array<i64: 2528, 128>}]} {
    %get3A = arith.constant 0 : index
    %get3A_0 = arith.constant 0 : index
    %get3A_1 = vector.load %arg3[%get3A, %get3A_0] : memref<2528x128xf32, #tpu.memory_space<vmem>>, vector<2528x128xf32>
    %get3A_2 = arith.constant 0 : index
    %get3A_3 = arith.constant 0 : index
    %get3A_4 = arith.constant 0 : index
    %get3A_5 = vector.load %arg1[%get3A_2, %get3A_3, %get3A_4] : memref<2x2528x128xf32, #tpu.memory_space<vmem>>, vector<1x2528x128xf32>
    %get3A_6 = vector.shape_cast %get3A_5 : vector<1x2528x128xf32> to vector<2528x128xf32>
    %get3A_7 = arith.constant 1 : index
    %get3A_8 = arith.constant 0 : index
    %get3A_9 = arith.constant 0 : index
    %get3A_10 = vector.load %arg1[%get3A_7, %get3A_8, %get3A_9] : memref<2x2528x128xf32, #tpu.memory_space<vmem>>, vector<1x2528x128xf32>
    %get3A_11 = vector.shape_cast %get3A_10 : vector<1x2528x128xf32> to vector<2528x128xf32>
    %add3A = arith.addf %get3A_6, %get3A_11 : vector<2528x128xf32>
    %get3A_12 = arith.constant 0 : index
    %get3A_13 = arith.constant 0 : index
    %get3A_14 = vector.load %arg2[%get3A_12, %get3A_13] : memref<2528x128xf32, #tpu.memory_space<vmem>>, vector<2528x128xf32>
    %add3A_15 = arith.addf %add3A, %get3A_14 : vector<2528x128xf32>
    %mul3A = arith.mulf %get3A_1, %add3A_15 : vector<2528x128xf32>
    %get3A_16 = arith.constant 0 : index
    %get3A_17 = arith.constant 0 : index
    %get3A_18 = vector.load %arg4[%get3A_16, %get3A_17] : memref<128x128xf32, #tpu.memory_space<vmem>>, vector<128x128xf32>
    %dot_general3A = arith.constant dense<0.000000e+00> : vector<2528x128xf32>
    %dot_general3A_19 = tpu.matmul %mul3A, %get3A_18, %dot_general3A {dimension_numbers = #tpu.dot_dimension_numbers<[1], [0], [0], [1], [0, 0, 1, 1], [], []>, transpose_lhs_hint = false} : vector<2528x128xf32>, vector<128x128xf32>, vector<2528x128xf32> -> vector<2528x128xf32>
    %get3A_20 = arith.constant 0 : index
    %get3A_21 = arith.constant 0 : index
    %get3A_22 = vector.load %arg5[%get3A_20, %get3A_21] : memref<1x128xf32, #tpu.memory_space<vmem>>, vector<1x128xf32>
    %add3A_23 = vector.broadcast %get3A_22 : vector<1x128xf32> to vector<2528x128xf32>
    %add3A_24 = arith.addf %dot_general3A_19, %add3A_23 : vector<2528x128xf32>
    %swap3A = arith.constant 0 : index
    %swap3A_25 = arith.constant 0 : index
    %swap3A_26 = vector.load %arg6[%swap3A, %swap3A_25] : memref<2528x128xf32, #tpu.memory_space<vmem>>, vector<2528x128xf32>
    tpu.vector_store %arg6[%swap3A, %swap3A_25], %add3A_24 {strides = array<i32>} : memref<2528x128xf32, #tpu.memory_space<vmem>>, vector<2528x128xf32>,
    return
  }
  func.func @transform_0(%arg0: i32) -> (i32, i32, i32) {
    %c0_i32 = arith.constant 0 : i32
    %c0_i32_0 = arith.constant 0 : i32
    %c0_i32_1 = arith.constant 0 : i32
    return %c0_i32, %arg0, %c0_i32_0 : i32, i32, i32
  }
  func.func @transform_1(%arg0: i32) -> (i32, i32) {
    %c0_i32 = arith.constant 0 : i32
    %c0_i32_0 = arith.constant 0 : i32
    return %arg0, %c0_i32 : i32, i32
  }
  func.func @transform_2(%arg0: i32) -> (i32, i32) {
    %c0_i32 = arith.constant 0 : i32
    %c0_i32_0 = arith.constant 0 : i32
    return %arg0, %c0_i32 : i32, i32
  }
  func.func @transform_3(%arg0: i32) -> (i32, i32) {
    %c0_i32 = arith.constant 0 : i32
    %c0_i32_0 = arith.constant 0 : i32
    %c0_i32_1 = arith.constant 0 : i32
    return %c0_i32, %c0_i32_0 : i32, i32
  }
  func.func @transform_4(%arg0: i32) -> (i32, i32) {
    %c0_i32 = arith.constant 0 : i32
    %c0_i32_0 = arith.constant 0 : i32
    %c0_i32_1 = arith.constant 0 : i32
    return %c0_i32, %c0_i32_0 : i32, i32
  }
  func.func @transform_5(%arg0: i32) -> (i32, i32) {
    %c0_i32 = arith.constant 0 : i32
    %c0_i32_0 = arith.constant 0 : i32
    return %arg0, %c0_i32 : i32, i32
  }
}

</mosaic_0001>

<sc_bundles>
// kernel: kernel.11.cloned.1.call-start
scs
__scs_entry_jumppad:
0x0: {  	(pc) =	sbr.rel $0x88, $3  }
0x1: {  	(tag) =	ssettag $0x0;
	lr =	simm.s32 $0x1  }
0x2: {  	[smem:$0x3F99] =	sst lr;
	_ =	strace $0xD0000000  }
0x3: {  	_ = 	snop  }
0x4: {  	_ = 	snop  }
0x5: {  	_ = 	snop  }
0x6: {  	_ = 	snop  }
0x7: {  	_ = 	snop  }
__scs_overlays_trampoline_lowered:
0x8: {  	[smem:$0x3FA8] =	sst s0  }
0x9: {  	[smem:$0x3FA9] =	sst s1  }
0xa: {  	[smem:$0x3FAA] =	sst s2  }
0xb: {  	[smem:$0x3FAB] =	sst s3  }
0xc: {  	[smem:$0x3FAC] =	sst s4  }
0xd: {  	[smem:$0x3FAD] =	sst s5  }
0xe: {  	[smem:$0x3FAE] =	sst s6  }
0xf: {  	[smem:$0x3FAF] =	sst s7  }
0x10: {  	[smem:$0x3FB0] =	sst s8  }
0x11: {  	[smem:$0x3FB1] =	sst s9;
	s0 =	simm.s32 @!p0 $0x0  }
0x12: {  	s1 =	sld [smem:$0x3F97];
	s0 =	simm.s32 @p0 $0x1  }
0x13: {  	[smem:$0x3FB2] =	sst s0;
	s0 =	simm.s32 @!p1 $0x0  }
0x14: {  	s2 =	sld [smem:$0x3F96];
	s0 =	simm.s32 @p1 $0x1  }
0x15: {  	[smem:$0x3FB3] =	sst s0;
	s0 =	simm.s32 @!p2 $0x0  }
0x16: {  	s3 =	sld [smem:$0x3FDB];
	s0 =	simm.s32 @p2 $0x1  }
0x17: {  	s4 =	simm.s32 $0x1BF5;
	[smem:$0x3FB5] =	sst s0  }
0x18: {  	s0 =	sld [smem:$0x3F98];
	_ =	swait.ge [sflag:s4], $0x0  }
0x19: {  	s7 =	sld [smem:$0x3F99]  }
0x1a: {  	s8 =	sadd.s32 $0xFFFFE003, lr  }
0x1b: {  	s9 =	sadd.s32 $0xFFFFFEF7, lr;
	s5 =	simm.s32 $0xFFFFFFFF;
	p2 =	slt.u32 s8, $0xFFFFF086  }
0x1c: {  	p1 =	slt.u32 s9, $0xF7A;
	s5 =	simm.s32 @!p2 $0x0  }
0x1d: {  	s5 =	simm.s32 @p1 $0x1;
	p0 =	seq.s32 s7, s2  }
0x1e: {  	s7 =	smul.u32 @!p0 $0xF7A, s2;
	p2 =	seq.s32 @!p0 s5, $0x0  }
0x1f: {  	s9 =	smul.u32 $0xF7A, s1;
	s8 =	simm.s32 @!p0 $0x1BF5;
	p2 =	por !p2, p0  }
0x20: {  	[sflag:s8] =	ssyncset.s32 @!p0 $0xFFFFF086;
	s6 =	sadd.s32 @!p0 s3, s7;
	s7 =	simm.s32 @!p0 $0x108  }
0x21: {  	s3 =	sadd.s32 s3, s9;
	s6 =	sadd.s32 @!p0 $0x88, s6;
	s7 =	simm.s32 @p2 $0x1082  }
0x22: {  	[simem:s7], [sflag:s8] =	dma.local @!p0 [hbm:s6], $0xF7A  }
0x23: {  	s9 =	sor.u32 $0xD0000000, s2;
	s6 =	simm.s32 $0x108;
	_ =	swait.ge @!p0 [sflag:s8], $0x0  }
0x24: {  	s3 =	sadd.s32 $0x88, s3;
	s6 =	simm.s32 @!p1 $0x1082;
	[sflag:s4] =	ssyncset.s32 $0xFFFFF086  }
0x25: {  	[simem:s6], [sflag:s4] =	dma.local [hbm:s3], $0xF7A  }
0x26: {  	[smem:$0x3F99] =	sst s1;
	(tag) =	ssettag s2;
	_ =	strace s9  }
0x27: {  	s1 =	sld [smem:$0x3FA9]  }
0x28: {  	s2 =	sld [smem:$0x3FAA]  }
0x29: {  	s4 =	sld [smem:$0x3FAC]  }
0x2a: {  	p0 =	seq.s32 s5, $0x0;
	s5 =	sld [smem:$0x3FAD]  }
0x2b: {  	s6 =	sld [smem:$0x3FAE]  }
0x2c: {  	s7 =	sld [smem:$0x3FAF]  }
0x2d: {  	s3 =	simm.s32 $0x108;
	s8 =	sld [smem:$0x3FB0]  }
0x2e: {  	s3 =	simm.s32 @!p0 $0x1082;
	s9 =	sld [smem:$0x3FB1]  }
0x2f: {  	lr =	sadd.s32 s0, s3;
	s0 =	sld [smem:$0x3FA8]  }
0x30: {  	s3 =	sld [smem:$0x3FAB]  }
0x31: {  	[smem:$0x3FB4] =	sst s10  }
0x32: {  	s10 =	sld [smem:$0x3FB2];
	_ =	sdelay $0x3  }
0x33: {  	p0 =	seq.s32 s10, $0x1;
	s10 =	sld [smem:$0x3FB4];
	_ =	sdelay $0x3  }
0x34: {  	[smem:$0x3FB4] =	sst s10  }
0x35: {  	s10 =	sld [smem:$0x3FB3];
	_ =	sdelay $0x3  }
0x36: {  	p1 =	seq.s32 s10, $0x1;
	s10 =	sld [smem:$0x3FB4];
	_ =	sdelay $0x3  }
0x37: {  	[smem:$0x3FB4] =	sst s10  }
0x38: {  	s10 =	sld [smem:$0x3FB5]  }
0x39: {  	_ = 	snop;
	(pc) =	sbr.ind lr, $3  }
0x3a: {  	_ = 	snop  }
0x3b: {  	_ = 	snop  }
0x3c: {  	p2 =	seq.s32 s10, $0x1;
	s10 =	sld [smem:$0x3FB4]  }
0x3d: {  	_ =	shalt  }
0x3e: {  	_ =	shalt  }
0x3f: {  	_ =	shalt  }
0x40: {  	_ =	shalt  }
0x41: {  	_ =	shalt  }
0x42: {  	_ =	shalt  }
0x43: {  	_ =	shalt  }
0x44: {  	_ =	shalt  }
0x45: {  	_ =	shalt  }
0x46: {  	_ =	shalt  }
0x47: {  	_ =	shalt  }
0x48: {  	_ =	shalt  }
0x49: {  	_ =	shalt  }
0x4a: {  	_ =	shalt  }
0x4b: {  	_ =	shalt  }
0x4c: {  	_ =	shalt  }
0x4d: {  	_ =	shalt  }
0x4e: {  	_ =	shalt  }
0x4f: {  	_ =	shalt  }
0x50: {  	_ =	shalt  }
0x51: {  	_ =	shalt  }
0x52: {  	_ =	shalt  }
0x53: {  	_ =	shalt  }
0x54: {  	_ =	shalt  }
0x55: {  	_ =	shalt  }
0x56: {  	_ =	shalt  }
0x57: {  	_ =	shalt  }
0x58: {  	_ =	shalt  }
0x59: {  	_ =	shalt  }
0x5a: {  	_ =	shalt  }
0x5b: {  	_ =	shalt  }
0x5c: {  	_ =	shalt  }
0x5d: {  	_ =	shalt  }
0x5e: {  	_ =	shalt  }
0x5f: {  	_ =	shalt  }
0x60: {  	_ =	shalt  }
0x61: {  	_ =	shalt  }
0x62: {  	_ =	shalt  }
0x63: {  	_ =	shalt  }
0x64: {  	_ =	shalt  }
0x65: {  	_ =	shalt  }
0x66: {  	_ =	shalt  }
0x67: {  	_ =	shalt  }
0x68: {  	_ =	shalt  }
0x69: {  	_ =	shalt  }
0x6a: {  	_ =	shalt  }
0x6b: {  	_ =	shalt  }
0x6c: {  	_ =	shalt  }
0x6d: {  	_ =	shalt  }
0x6e: {  	_ =	shalt  }
0x6f: {  	_ =	shalt  }
0x70: {  	_ =	shalt  }
0x71: {  	_ =	shalt  }
0x72: {  	_ =	shalt  }
0x73: {  	_ =	shalt  }
0x74: {  	_ =	shalt  }
0x75: {  	_ =	shalt  }
0x76: {  	_ =	shalt  }
0x77: {  	_ =	shalt  }
0x78: {  	_ =	shalt  }
0x79: {  	_ =	shalt  }
0x7a: {  	_ =	shalt  }
0x7b: {  	_ =	shalt  }
0x7c: {  	_ =	shalt  }
0x7d: {  	_ =	shalt  }
0x7e: {  	_ =	shalt  }
0x7f: {  	_ =	shalt  }
0x80: {  	_ =	shalt  }
0x81: {  	_ =	shalt  }
0x82: {  	_ =	shalt  }
0x83: {  	_ =	shalt  }
0x84: {  	_ =	shalt  }
0x85: {  	_ =	shalt  }
0x86: {  	_ =	shalt  }
0x87: {  	_ =	shalt  }
.Lfunc_end0:
.L_simem_size_0:
called_computation.1_lowered:
.L_overlay_start_0:
0x88: {  	s2 =	sld [smem:$0x3FD9]  }
0x89: {  	s3 =	sld [smem:$0x3FFE];
	_ =	sdelay $0x1  }
0x8a: {  	s1 =	srdreg.scid  }
0x8b: {  	s0 =	sand.u32 $0x1, s1  }
0x8c: {  	s14 =	sshll.u32 s0, $0xA;
	s2 =	sadd.s32 s3, s2  }
0x8d: {  	s2 =	sadd.s32 s2, s14  }
0x8e: {  	[smem:$0x3FC0] =	sst s2  }
0x8f: {  	_ = 	snop  }
0x90: {  	s2 =	sld [smem:$0x3FD0];
	_ =	sdelay $0x2  }
0x91: {  	s15 =	simm.s32 $0xA;
	s4 =	simm.s32 $0x10  }
0x92: {  	[smem:s4], [sflag:s15] =	dma.local [hbm:s2], $0x1  }
0x93: {  	_ =	swait.eq [sflag:s15], $0x1  }
0x94: {  	[sflag:s15] =	ssyncset.done $0x0  }
0x95: {  	s16 =	sld [smem:$0x10];
	[sflag:s15] =	ssyncadd.s32 $0xFFFFFFFF  }
0x96: {  	s17 =	sld [smem:$0x11];
	(tm) =	ssettm $0x1  }
0x97: {  	s18 =	sld [smem:$0x3FFB];
	_ =	sdelay $0x3  }
0x98: {  	_ =	strace s18  }
0x99: {  	s4 =	sld [smem:$0x3FFC];
	_ =	sdelay $0x3  }
0x9a: {  	_ =	strace s4  }
0x9b: {  	s4 =	sld [smem:$0x3FFD];
	_ =	sdelay $0x3  }
0x9c: {  	_ =	strace s4  }
0x9d: {  	_ =	strace $0x8FFFFFFF  }
0x9e: {  	s19 =	sld [smem:$0x3FDB];
	_ =	sdelay $0x1  }
0x9f: {  	s5 =	simm.s32 $_scs_section_size  }
0xa0: {  	s6 =	simm.s32 $_size__tile_overlayer_lowered;
	s7 =	simm.s32 $_tile_overlayer_lowered  }
0xa1: {  	s22 =	simm.s32 $0x1BFF;
	s21 =	sshll.u32 s7, $0x1;
	s4 =	sadd.s32 s5, s19  }
0xa2: {  	s8 =	simm.s32 $0x0;
	s20 =	sshll.u32 s6, $0x1;
	s6 =	sadd.s32 s21, s4  }
0xa3: {  	[timem:s8], [sflag:s22] =	dma.local [hbm:s6], s20  }
0xa4: {  	_ =	swait.ge [sflag:s22], s20  }
0xa5: {  	s5 =	ssub.s32 $0x0, s20;
	[sflag:s22] =	ssyncset.done $0x0  }
0xa6: {  	[sflag:s22] =	ssyncadd.s32 s5;
	_ =	sdelay $0x1  }
0xa7: {  	s23 =	simm.s32 $0x1B8B  }
0xa8: {  	_ =	swait.ge [sflag:s23], $0x1  }
0xa9: {  	[sflag:s23] =	ssyncset.done $0x0  }
0xaa: {  	s25 =	simm.s32 $0x1B8E;
	s24 =	sld [smem:$0x3FFE];
	[sflag:s23] =	ssyncadd.s32 $0xFFFFFFFF  }
0xab: {  	s26 =	simm.s32 $execute0_lowered;
	[smem:$0x3FD2] =	sst s25  }
0xac: {  	s6 =	sshll.u32 s26, $0x1;
	_ =	strace $0x80000049;
	[dreg:$0x1] =	wrdreg $0xFFFFFFFF  }
0xad: {  	s28 =	simm.s32 $_size_execute0_lowered;
	s4 =	sadd.s32 s4, s6;
	[dreg:$0x0] =	wrdreg $0x0  }
0xae: {  	s6 =	sshll.u32 s28, $0x1;
	[dreg:$0x2] =	wrdreg s4  }
0xaf: {  	[dreg:$0x3] =	wrdreg s6  }
0xb0: {  	[dreg:$0x4] =	wrdreg $0xC0  }
0xb1: {  	_ =	task [dreg:s8], $0x5FFFF  }
0xb2: {  	[dreg:$0x1] =	wrdreg $0xFFFFFFFF  }
0xb3: {  	[dreg:$0x0] =	wrdreg $0x60  }
0xb4: {  	[dreg:$0x2] =	wrdreg s16  }
0xb5: {  	[dreg:$0x3] =	wrdreg s17  }
0xb6: {  	[dreg:$0x4] =	wrdreg s24  }
0xb7: {  	[dreg:$0x5] =	wrdreg $0xA8000  }
0xb8: {  	[dreg:$0x6] =	wrdreg $0x9  }
0xb9: {  	_ =	task.clear_ibuf [dreg:s8], $0x7FFFF;
	_ =	strace $0x90000049  }
0xba: {  	s29 =	simm.s32 $0x9;
	_ =	strace $0x8000004B  }
0xbb: {  	_ =	swait.ge [sflag:s29], $0x1  }
0xbc: {  	[sflag:s29] =	ssyncadd.s32 $0xFFFFFFFF  }
0xbd: {  	_ =	strace $0x9000004B  }
0xbe: {  	_ =	sfence  }
0xbf: {  	s30 =	sld [smem:$0x0];
	_ =	sdelay $0x2  }
0xc0: {  	s31 =	sshll.u32 s1, $0xD;
	s1 =	sshrl.u32 s1, $0x2  }
0xc1: {  	s3 =	sand.u32 $0x4000, s31;
	s1 =	sadd.s32 s1, s30  }
0xc2: {  	s0 =	sor.u32 s3, s0;
	s1 =	sshll.u32 s1, $0x11  }
0xc3: {  	s0 =	sor.u32 s1, s0  }
0xc4: {  	s0 =	sadd.s32 $0x8F2B, s0  }
0xc5: {  	[sflag:s0] =	ssyncadd.remote.s32 $0x1  }
0xc6: {  	_ =	sfence.sel $0xFFFF  }
0xc7: {  	[dreg:$0x0] =	wrdreg $0xFFFFFFFF;
	(pc) =	sbr.abs _section_cstart, $3  }
0xc8: {  	[dreg:$0x1] =	wrdreg $0xFFFFFFFF  }
0xc9: {  	_ =	task.clear_ibuf [dreg:s8], $0x2FFFF;
	_ =	strace $0x9FFFFFFF  }
0xca: {  	(tm) =	ssettm $0x7FFFFFFF  }
0xcb: {  	_ =	shalt  }
tec
execute0_lowered:
.L_overlay_start_1:
0x0: {  	(tag) =	ssettag $0x1  }
0x1: {  	s1 =	rddreg [dreg:$0x0]  }
0x2: {  	s3 =	rddreg [dreg:$0x1]  }
0x3: {  	s7 =	rddreg [dreg:$0x2]  }
0x4: {  	s4 =	rddreg [dreg:$0x3];
	s0 =	stileid.u32  }
0x5: {  	s6 =	srdreg.scid;
	s2 =	rddreg [dreg:$0x4];
	s5 =	simm.s32 $0x0  }
0x6: {  	s16 =	simm.s32 $0x2800;
	s17 =	simm.s32 $0x1;
	s18 =	simm.s32 $0x6800  }
0x7: {  	s19 =	simm.s32 $0x2;
	s20 =	simm.s32 $0x100;
	s8 =	smul.u32 $0x13C00, s0  }
0x8: {  	s21 =	simm.s32 $0x1480;
	s22 =	simm.s32 $0x0;
	s12 =	smul.u32 $0x28, s0  }
0x9: {  	s9 =	sand.u32 $0x1, s6;
	[smem:$0x7FF] =	sst s5;
	s14 =	smul.u32 $0x4F000, s0  }
0xa: {  	s6 =	sadd.s32 $0x2A000, s7;
	s31 =	sshll.u32 s0, $0x6;
	s11 =	smul.u32 $0x13C000, s9  }
0xb: {  	_ =	strace $0x8000004A;
	s28 =	ssub.s32 $0x2, s9;
	p0 =	seq.s32 s9, $0x1  }
0xc: {  	s9 =	sor.u32 $0x1C03, s31;
	s10 =	sshrl.u32 s8, $0x3;
	s13 =	sshrl.u32 s28, $0x1  }
0xd: {  	s29 =	sshrl.u32 s14, $0x2;
	s14 =	simm.s32 $0x1400;
	s8 =	sadd.s32 s8, s11  }
.Ltmp0:
0xe: {  	s10 =	sadd.s32 s10, s7;
	s8 =	sshrl.u32 s8, $0x3;
	(pc) =	sbr.rel .LBB2_1-.Ltmp0, $4  }
0xf: {  	s11 =	ssub.s32 s28, s13;
	s15 =	sadd.s32 s8, s7;
	s8 =	smul.u32 $0x78, s0  }
0x10: {  	s30 =	sadd.s32 s29, s4;
	s13 =	simm.s32 $0x3;
	s7 =	sadd.s32 $0x780, s12  }
0x11: {  	s11 =	smax.u32 s11, $0x1;
	s12 =	sshrl.u32 s30, $0x3;
	s7 =	smov.u32 @p0 s8  }
0x12: {  	s8 =	sadd.s32 $0x2800, s10;
	s10 =	sadd.s32 $0x51800, s15;
	s15 =	simm.s32 $0x80  }
.LBB2_6:
0x13: {  	s22 =	sadd.s32 $0x1, s22  }
0x14: {  	p1 =	sne.s32 s22, s11  }
.Ltmp1:
0x15: {  	[bflag:$0x0] =	sbarrier.arrive $0xFFFF;
	(pc) =	sbr.rel @!p1 .LBB2_7-.Ltmp1, $4  }
0x16: {  	[hbm:s10], [sflag:s9] =	dma.local [spmem:s12], $0x2780  }
0x17: {  	_ =	swait.ge [sflag:s13], $0x2780  }
0x18: {  	[sflag:s13] =	ssyncset.done $0x0  }
0x19: {  	[sflag:s13] =	ssyncadd.s32 $0xFFFFD880  }
.LBB2_1:
0x1a: {  	[spmem:s12], [sflag:s9] =	dma.local [hbm:s8], $0x2780  }
.Ltmp2:
0x1b: {  	_ =	swait.ge [sflag:s13], $0x2780;
	(pc) =	sbr.rel .LBB2_2-.Ltmp2, $4  }
0x1c: {  	[sflag:s13] =	ssyncset.done $0x0  }
0x1d: {  	[sflag:s13] =	ssyncadd.s32 $0xFFFFD880  }
0x1e: {  	[bflag:$0x0] =	sbarrier.arrive $0xFFFF  }
0x1f: {  	s23 =	simm.s32 $0x0  }
.LBB2_5:
0x20: {  	p1 =	slt.u32 s23, $0x2  }
0x21: {  	p1 =	por !p0, !p1  }
0x22: {  	p1 =	por !p1, !p1  }
.Ltmp3:
0x23: {  	_ = 	snop;
	(pc) =	sbr.rel @!p1 .LBB2_6-.Ltmp3, $4  }
0x24: {  	[spmem:s4] =	stream.indirect.scatter.add.f32 [tilespmem:s18], [sflag:$0x2], $0x80, s26, s15, $0xb8;
	[tilespmem:$0x1E400] =	vst v63  }
0x25: {  	_ =	swait.ge [sflag:s19], $0x4000  }
0x26: {  	[sflag:s19] =	ssyncset.done $0x0  }
0x27: {  	s23 =	sadd.s32 $0x1, s23;
	[sflag:s19] =	ssyncadd.s32 $0xFFFFC000  }
.LBB2_2:
0x28: {  	s24 =	smul.u32 $0x28, s23;
	_ =	sdelay $0x1  }
0x29: {  	s24 =	sadd.s32 s7, s24  }
0x2a: {  	s24 =	sshll.u32 s24, $0x4  }
0x2b: {  	s25 =	sadd.s32 s1, s24  }
0x2c: {  	[tilespmem:s5], [sflag:$0x3] =	stream.linear.gather [hbm4b:s25+s5], $0x1400, $0x38;
	[tilespmem:$0x1E400] =	vst v63  }
0x2d: {  	_ =	swait.ge [sflag:s13], $0x1400  }
0x2e: {  	[sflag:s13] =	ssyncset.done $0x0  }
0x2f: {  	s24 =	sadd.s32 s3, s24;
	[sflag:s13] =	ssyncadd.s32 $0xFFFFEC00  }
0x30: {  	[tilespmem:s14], [sflag:$0x3] =	stream.linear.gather [hbm4b:s24+s5], $0x1400, $0x38;
	[tilespmem:$0x1E400] =	vst v63  }
0x31: {  	_ =	swait.ge [sflag:s13], $0x1400  }
0x32: {  	[sflag:s13] =	ssyncset.done $0x0  }
0x33: {  	[sflag:s13] =	ssyncadd.s32 $0xFFFFEC00  }
0x34: {  	[tilespmem:s16], [sflag:$0x1] =	stream.indirect.gather [hbm4b:s6+s15], $0x80, s5, s15, $0xb8;
	[tilespmem:$0x1E400] =	vst v63  }
0x35: {  	_ =	swait.ge [sflag:s17], $0x4000  }
0x36: {  	[sflag:s17] =	ssyncset.done $0x0  }
0x37: {  	[sflag:s17] =	ssyncadd.s32 $0xFFFFC000  }
0x38: {  	[tilespmem:s18], [sflag:$0x1] =	stream.indirect.gather [hbm4b:s6+s15], $0x80, s15, s15, $0xb8;
	[tilespmem:$0x1E400] =	vst v63  }
0x39: {  	_ = 	snop  }
0x3a: {  	[spmem:s4] =	stream.indirect.scatter.add.f32 [tilespmem:s16], [sflag:$0x2], $0x80, s14, s15, $0xb8;
	[tilespmem:$0x1E400] =	vst v63  }
0x3b: {  	_ =	swait.ge [sflag:s17], $0x4000  }
0x3c: {  	[sflag:s17] =	ssyncset.done $0x0  }
0x3d: {  	[sflag:s17] =	ssyncadd.s32 $0xFFFFC000  }
0x3e: {  	_ =	swait.ge [sflag:s19], $0x4000  }
0x3f: {  	[sflag:s19] =	ssyncset.done $0x0  }
0x40: {  	[sflag:s19] =	ssyncadd.s32 $0xFFFFC000  }
0x41: {  	[tilespmem:s16], [sflag:$0x1] =	stream.indirect.gather [hbm4b:s6+s15], $0x80, s20, s15, $0xb8;
	[tilespmem:$0x1E400] =	vst v63  }
0x42: {  	s24 =	simm.s32 $0xFFFFB800  }
0x43: {  	[spmem:s4] =	stream.indirect.scatter.add.f32 [tilespmem:s18], [sflag:$0x2], $0x80, s21, s15, $0xb8;
	[tilespmem:$0x1E400] =	vst v63  }
.LBB2_3:
0x44: {  	_ =	swait.ge [sflag:s17], $0x4000  }
0x45: {  	[sflag:s17] =	ssyncset.done $0x0  }
0x46: {  	[sflag:s17] =	ssyncadd.s32 $0xFFFFC000  }
0x47: {  	_ =	swait.ge [sflag:s19], $0x4000  }
0x48: {  	s25 =	sshra.s32 s24, $0x2;
	[sflag:s19] =	ssyncset.done $0x0  }
0x49: {  	s26 =	sadd.s32 $0x1380, s25;
	[sflag:s19] =	ssyncadd.s32 $0xFFFFC000  }
0x4a: {  	[tilespmem:s18], [sflag:$0x1] =	stream.indirect.gather [hbm4b:s6+s15], $0x80, s26, s15, $0xb8;
	[tilespmem:$0x1E400] =	vst v63  }
0x4b: {  	s31 =	sadd.s32 $0x2700, s25  }
0x4c: {  	[spmem:s4] =	stream.indirect.scatter.add.f32 [tilespmem:s16], [sflag:$0x2], $0x80, s31, s15, $0xb8;
	[tilespmem:$0x1E400] =	vst v63  }
0x4d: {  	p1 =	seq.s32 s24, $0x0;
	_ =	swait.ge [sflag:s17], $0x4000  }
.Ltmp4:
0x4e: {  	[sflag:s17] =	ssyncset.done $0x0;
	(pc) =	sbr.rel @p1 .LBB2_5-.Ltmp4, $4  }
0x4f: {  	[sflag:s17] =	ssyncadd.s32 $0xFFFFC000  }
0x50: {  	_ =	swait.ge [sflag:s19], $0x4000  }
0x51: {  	[sflag:s19] =	ssyncset.done $0x0  }
0x52: {  	s26 =	sadd.s32 $0x2780, s25;
	[sflag:s19] =	ssyncadd.s32 $0xFFFFC000  }
.Ltmp5:
0x53: {  	(pc) =	sbr.rel .LBB2_3-.Ltmp5, $4  }
0x54: {  	s25 =	sadd.s32 $0x1400, s25  }
0x55: {  	[tilespmem:s16], [sflag:$0x1] =	stream.indirect.gather [hbm4b:s6+s15], $0x80, s25, s15, $0xb8;
	[tilespmem:$0x1E400] =	vst v63  }
0x56: {  	s24 =	sadd.s32 $0x400, s24  }
0x57: {  	[spmem:s4] =	stream.indirect.scatter.add.f32 [tilespmem:s18], [sflag:$0x2], $0x80, s26, s15, $0xb8;
	[tilespmem:$0x1E400] =	vst v63  }
.LBB2_7:
0x58: {  	_ =	sfence.sel $0x180000  }
0x59: {  	[bflag:$0x0] =	sbarrier.arrive $0xFFFF  }
0x5a: {  	p0 =	sne.s32 s0, $0x0;
	_ =	strace $0x9000004A  }
0x5b: {  	s0 =	sadd.s32 @!p0 $0x100000, s2;
	[bflag:$0x2] =	sbarrier.arrive $0xFFFF  }
0x5c: {  	[sflag:s0] =	ssyncadd.tile.s32 @!p0 $0x1;
	_ =	shalt  }
.Lfunc_end2:
_tile_overlayer_lowered:
.L_overlay_start_2:
0x5d: {  	(tag) =	ssettag $0x2  }
0x5e: {  	s0 =	rddreg [dreg:$0x0];
	s2 =	stileid.u32  }
0x5f: {  	s1 =	rddreg [dreg:$0x1];
	p0 =	sne.s32 s2, $0x0  }
0x60: {  	s3 =	rddreg [dreg:$0x2];
	[bflag:$0x3] =	sbarrier.arrive $0xFFFF;
	s2 =	simm.s32 @!p0 $0x1C03  }
0x61: {  	[timem:s3], [sflag:s2] =	dma.local @!p0 [hbm:s0], s1  }
0x62: {  	s0 =	simm.s32 @!p0 $0x3  }
0x63: {  	_ =	swait.ge @!p0 [sflag:s0], s1  }
0x64: {  	s1 =	ssub.s32 @!p0 $0x0, s1;
	[sflag:s0] =	ssyncset.done @!p0 $0x0  }
0x65: {  	[sflag:s0] =	ssyncadd.s32 @!p0 s1  }
0x66: {  	[bflag:$0x3] =	sbarrier.arrive $0xFFFF  }
0x67: {  	_ =	shalt  }

// kernel: kernel.14.cloned.1.call-start
scs
__scs_entry_jumppad:
0x0: {  	(pc) =	sbr.rel $0x88, $3  }
0x1: {  	(tag) =	ssettag $0x0;
	lr =	simm.s32 $0x1  }
0x2: {  	[smem:$0x3F99] =	sst lr;
	_ =	strace $0xD0000000  }
0x3: {  	_ = 	snop  }
0x4: {  	_ = 	snop  }
0x5: {  	_ = 	snop  }
0x6: {  	_ = 	snop  }
0x7: {  	_ = 	snop  }
__scs_overlays_trampoline_lowered:
0x8: {  	[smem:$0x3FA8] =	sst s0  }
0x9: {  	[smem:$0x3FA9] =	sst s1  }
0xa: {  	[smem:$0x3FAA] =	sst s2  }
0xb: {  	[smem:$0x3FAB] =	sst s3  }
0xc: {  	[smem:$0x3FAC] =	sst s4  }
0xd: {  	[smem:$0x3FAD] =	sst s5  }
0xe: {  	[smem:$0x3FAE] =	sst s6  }
0xf: {  	[smem:$0x3FAF] =	sst s7  }
0x10: {  	[smem:$0x3FB0] =	sst s8  }
0x11: {  	[smem:$0x3FB1] =	sst s9;
	s0 =	simm.s32 @!p0 $0x0  }
0x12: {  	s1 =	sld [smem:$0x3F97];
	s0 =	simm.s32 @p0 $0x1  }
0x13: {  	[smem:$0x3FB2] =	sst s0;
	s0 =	simm.s32 @!p1 $0x0  }
0x14: {  	s2 =	sld [smem:$0x3F96];
	s0 =	simm.s32 @p1 $0x1  }
0x15: {  	[smem:$0x3FB3] =	sst s0;
	s0 =	simm.s32 @!p2 $0x0  }
0x16: {  	s3 =	sld [smem:$0x3FDB];
	s0 =	simm.s32 @p2 $0x1  }
0x17: {  	s4 =	simm.s32 $0x1BF5;
	[smem:$0x3FB5] =	sst s0  }
0x18: {  	s0 =	sld [smem:$0x3F98];
	_ =	swait.ge [sflag:s4], $0x0  }
0x19: {  	s7 =	sld [smem:$0x3F99]  }
0x1a: {  	s8 =	sadd.s32 $0xFFFFE003, lr  }
0x1b: {  	s9 =	sadd.s32 $0xFFFFFEF7, lr;
	s5 =	simm.s32 $0xFFFFFFFF;
	p2 =	slt.u32 s8, $0xFFFFF086  }
0x1c: {  	p1 =	slt.u32 s9, $0xF7A;
	s5 =	simm.s32 @!p2 $0x0  }
0x1d: {  	s5 =	simm.s32 @p1 $0x1;
	p0 =	seq.s32 s7, s2  }
0x1e: {  	s7 =	smul.u32 @!p0 $0xF7A, s2;
	p2 =	seq.s32 @!p0 s5, $0x0  }
0x1f: {  	s9 =	smul.u32 $0xF7A, s1;
	s8 =	simm.s32 @!p0 $0x1BF5;
	p2 =	por !p2, p0  }
0x20: {  	[sflag:s8] =	ssyncset.s32 @!p0 $0xFFFFF086;
	s6 =	sadd.s32 @!p0 s3, s7;
	s7 =	simm.s32 @!p0 $0x108  }
0x21: {  	s3 =	sadd.s32 s3, s9;
	s6 =	sadd.s32 @!p0 $0x88, s6;
	s7 =	simm.s32 @p2 $0x1082  }
0x22: {  	[simem:s7], [sflag:s8] =	dma.local @!p0 [hbm:s6], $0xF7A  }
0x23: {  	s9 =	sor.u32 $0xD0000000, s2;
	s6 =	simm.s32 $0x108;
	_ =	swait.ge @!p0 [sflag:s8], $0x0  }
0x24: {  	s3 =	sadd.s32 $0x88, s3;
	s6 =	simm.s32 @!p1 $0x1082;
	[sflag:s4] =	ssyncset.s32 $0xFFFFF086  }
0x25: {  	[simem:s6], [sflag:s4] =	dma.local [hbm:s3], $0xF7A  }
0x26: {  	[smem:$0x3F99] =	sst s1;
	(tag) =	ssettag s2;
	_ =	strace s9  }
0x27: {  	s1 =	sld [smem:$0x3FA9]  }
0x28: {  	s2 =	sld [smem:$0x3FAA]  }
0x29: {  	s4 =	sld [smem:$0x3FAC]  }
0x2a: {  	p0 =	seq.s32 s5, $0x0;
	s5 =	sld [smem:$0x3FAD]  }
0x2b: {  	s6 =	sld [smem:$0x3FAE]  }
0x2c: {  	s7 =	sld [smem:$0x3FAF]  }
0x2d: {  	s3 =	simm.s32 $0x108;
	s8 =	sld [smem:$0x3FB0]  }
0x2e: {  	s3 =	simm.s32 @!p0 $0x1082;
	s9 =	sld [smem:$0x3FB1]  }
0x2f: {  	lr =	sadd.s32 s0, s3;
	s0 =	sld [smem:$0x3FA8]  }
0x30: {  	s3 =	sld [smem:$0x3FAB]  }
0x31: {  	[smem:$0x3FB4] =	sst s10  }
0x32: {  	s10 =	sld [smem:$0x3FB2];
	_ =	sdelay $0x3  }
0x33: {  	p0 =	seq.s32 s10, $0x1;
	s10 =	sld [smem:$0x3FB4];
	_ =	sdelay $0x3  }
0x34: {  	[smem:$0x3FB4] =	sst s10  }
0x35: {  	s10 =	sld [smem:$0x3FB3];
	_ =	sdelay $0x3  }
0x36: {  	p1 =	seq.s32 s10, $0x1;
	s10 =	sld [smem:$0x3FB4];
	_ =	sdelay $0x3  }
0x37: {  	[smem:$0x3FB4] =	sst s10  }
0x38: {  	s10 =	sld [smem:$0x3FB5]  }
0x39: {  	_ = 	snop;
	(pc) =	sbr.ind lr, $3  }
0x3a: {  	_ = 	snop  }
0x3b: {  	_ = 	snop  }
0x3c: {  	p2 =	seq.s32 s10, $0x1;
	s10 =	sld [smem:$0x3FB4]  }
0x3d: {  	_ =	shalt  }
0x3e: {  	_ =	shalt  }
0x3f: {  	_ =	shalt  }
0x40: {  	_ =	shalt  }
0x41: {  	_ =	shalt  }
0x42: {  	_ =	shalt  }
0x43: {  	_ =	shalt  }
0x44: {  	_ =	shalt  }
0x45: {  	_ =	shalt  }
0x46: {  	_ =	shalt  }
0x47: {  	_ =	shalt  }
0x48: {  	_ =	shalt  }
0x49: {  	_ =	shalt  }
0x4a: {  	_ =	shalt  }
0x4b: {  	_ =	shalt  }
0x4c: {  	_ =	shalt  }
0x4d: {  	_ =	shalt  }
0x4e: {  	_ =	shalt  }
0x4f: {  	_ =	shalt  }
0x50: {  	_ =	shalt  }
0x51: {  	_ =	shalt  }
0x52: {  	_ =	shalt  }
0x53: {  	_ =	shalt  }
0x54: {  	_ =	shalt  }
0x55: {  	_ =	shalt  }
0x56: {  	_ =	shalt  }
0x57: {  	_ =	shalt  }
0x58: {  	_ =	shalt  }
0x59: {  	_ =	shalt  }
0x5a: {  	_ =	shalt  }
0x5b: {  	_ =	shalt  }
0x5c: {  	_ =	shalt  }
0x5d: {  	_ =	shalt  }
0x5e: {  	_ =	shalt  }
0x5f: {  	_ =	shalt  }
0x60: {  	_ =	shalt  }
0x61: {  	_ =	shalt  }
0x62: {  	_ =	shalt  }
0x63: {  	_ =	shalt  }
0x64: {  	_ =	shalt  }
0x65: {  	_ =	shalt  }
0x66: {  	_ =	shalt  }
0x67: {  	_ =	shalt  }
0x68: {  	_ =	shalt  }
0x69: {  	_ =	shalt  }
0x6a: {  	_ =	shalt  }
0x6b: {  	_ =	shalt  }
0x6c: {  	_ =	shalt  }
0x6d: {  	_ =	shalt  }
0x6e: {  	_ =	shalt  }
0x6f: {  	_ =	shalt  }
0x70: {  	_ =	shalt  }
0x71: {  	_ =	shalt  }
0x72: {  	_ =	shalt  }
0x73: {  	_ =	shalt  }
0x74: {  	_ =	shalt  }
0x75: {  	_ =	shalt  }
0x76: {  	_ =	shalt  }
0x77: {  	_ =	shalt  }
0x78: {  	_ =	shalt  }
0x79: {  	_ =	shalt  }
0x7a: {  	_ =	shalt  }
0x7b: {  	_ =	shalt  }
0x7c: {  	_ =	shalt  }
0x7d: {  	_ =	shalt  }
0x7e: {  	_ =	shalt  }
0x7f: {  	_ =	shalt  }
0x80: {  	_ =	shalt  }
0x81: {  	_ =	shalt  }
0x82: {  	_ =	shalt  }
0x83: {  	_ =	shalt  }
0x84: {  	_ =	shalt  }
0x85: {  	_ =	shalt  }
0x86: {  	_ =	shalt  }
0x87: {  	_ =	shalt  }
.Lfunc_end0:
.L_simem_size_0:
called_computation.2_lowered:
.L_overlay_start_0:
0x88: {  	s2 =	sld [smem:$0x3FD9]  }
0x89: {  	s3 =	sld [smem:$0x3FFE];
	_ =	sdelay $0x1  }
0x8a: {  	s1 =	srdreg.scid  }
0x8b: {  	s0 =	sand.u32 $0x1, s1  }
0x8c: {  	s14 =	sshll.u32 s0, $0xA;
	s2 =	sadd.s32 s3, s2  }
0x8d: {  	s2 =	sadd.s32 s2, s14  }
0x8e: {  	[smem:$0x3FC0] =	sst s2  }
0x8f: {  	_ = 	snop  }
0x90: {  	s2 =	sld [smem:$0x3FD0];
	_ =	sdelay $0x2  }
0x91: {  	s15 =	simm.s32 $0xA;
	s4 =	simm.s32 $0x10  }
0x92: {  	[smem:s4], [sflag:s15] =	dma.local [hbm:s2], $0x1  }
0x93: {  	_ =	swait.eq [sflag:s15], $0x1  }
0x94: {  	[sflag:s15] =	ssyncset.done $0x0  }
0x95: {  	s16 =	sld [smem:$0x10];
	[sflag:s15] =	ssyncadd.s32 $0xFFFFFFFF  }
0x96: {  	s17 =	sld [smem:$0x11];
	(tm) =	ssettm $0x1  }
0x97: {  	s18 =	sld [smem:$0x3FFB];
	_ =	sdelay $0x3  }
0x98: {  	_ =	strace s18  }
0x99: {  	s4 =	sld [smem:$0x3FFC];
	_ =	sdelay $0x3  }
0x9a: {  	_ =	strace s4  }
0x9b: {  	s4 =	sld [smem:$0x3FFD];
	_ =	sdelay $0x3  }
0x9c: {  	_ =	strace s4  }
0x9d: {  	_ =	strace $0x8FFFFFFF  }
0x9e: {  	s19 =	sld [smem:$0x3FDB];
	_ =	sdelay $0x1  }
0x9f: {  	s5 =	simm.s32 $_scs_section_size  }
0xa0: {  	s6 =	simm.s32 $_size__tile_overlayer_lowered;
	s7 =	simm.s32 $_tile_overlayer_lowered  }
0xa1: {  	s22 =	simm.s32 $0x1BFF;
	s21 =	sshll.u32 s7, $0x1;
	s4 =	sadd.s32 s5, s19  }
0xa2: {  	s8 =	simm.s32 $0x0;
	s20 =	sshll.u32 s6, $0x1;
	s6 =	sadd.s32 s21, s4  }
0xa3: {  	[timem:s8], [sflag:s22] =	dma.local [hbm:s6], s20  }
0xa4: {  	_ =	swait.ge [sflag:s22], s20  }
0xa5: {  	s5 =	ssub.s32 $0x0, s20;
	[sflag:s22] =	ssyncset.done $0x0  }
0xa6: {  	[sflag:s22] =	ssyncadd.s32 s5;
	_ =	sdelay $0x1  }
0xa7: {  	s23 =	simm.s32 $0x1B8B  }
0xa8: {  	_ =	swait.ge [sflag:s23], $0x1  }
0xa9: {  	[sflag:s23] =	ssyncset.done $0x0  }
0xaa: {  	s25 =	simm.s32 $0x1B8E;
	s24 =	sld [smem:$0x3FFE];
	[sflag:s23] =	ssyncadd.s32 $0xFFFFFFFF  }
0xab: {  	s26 =	simm.s32 $execute0_lowered;
	[smem:$0x3FD2] =	sst s25  }
0xac: {  	s6 =	sshll.u32 s26, $0x1;
	_ =	strace $0x8000004C;
	[dreg:$0x1] =	wrdreg $0xFFFFFFFF  }
0xad: {  	s28 =	simm.s32 $_size_execute0_lowered;
	s4 =	sadd.s32 s4, s6;
	[dreg:$0x0] =	wrdreg $0x0  }
0xae: {  	s6 =	sshll.u32 s28, $0x1;
	[dreg:$0x2] =	wrdreg s4  }
0xaf: {  	[dreg:$0x3] =	wrdreg s6  }
0xb0: {  	[dreg:$0x4] =	wrdreg $0xC0  }
0xb1: {  	_ =	task [dreg:s8], $0x5FFFF  }
0xb2: {  	[dreg:$0x1] =	wrdreg $0xFFFFFFFF  }
0xb3: {  	[dreg:$0x0] =	wrdreg $0x60  }
0xb4: {  	[dreg:$0x2] =	wrdreg s16  }
0xb5: {  	[dreg:$0x3] =	wrdreg s17  }
0xb6: {  	[dreg:$0x4] =	wrdreg s24  }
0xb7: {  	[dreg:$0x5] =	wrdreg $0xA8000  }
0xb8: {  	[dreg:$0x6] =	wrdreg $0x9  }
0xb9: {  	_ =	task.clear_ibuf [dreg:s8], $0x7FFFF;
	_ =	strace $0x9000004C  }
0xba: {  	s29 =	simm.s32 $0x9;
	_ =	strace $0x8000004E  }
0xbb: {  	_ =	swait.ge [sflag:s29], $0x1  }
0xbc: {  	[sflag:s29] =	ssyncadd.s32 $0xFFFFFFFF  }
0xbd: {  	_ =	strace $0x9000004E  }
0xbe: {  	_ =	sfence  }
0xbf: {  	s30 =	sld [smem:$0x0];
	_ =	sdelay $0x2  }
0xc0: {  	s31 =	sshll.u32 s1, $0xD;
	s1 =	sshrl.u32 s1, $0x2  }
0xc1: {  	s3 =	sand.u32 $0x4000, s31;
	s1 =	sadd.s32 s1, s30  }
0xc2: {  	s0 =	sor.u32 s3, s0;
	s1 =	sshll.u32 s1, $0x11  }
0xc3: {  	s0 =	sor.u32 s1, s0  }
0xc4: {  	s0 =	sadd.s32 $0x8F2B, s0  }
0xc5: {  	[sflag:s0] =	ssyncadd.remote.s32 $0x1  }
0xc6: {  	_ =	sfence.sel $0xFFFF  }
0xc7: {  	[dreg:$0x0] =	wrdreg $0xFFFFFFFF;
	(pc) =	sbr.abs _section_cstart, $3  }
0xc8: {  	[dreg:$0x1] =	wrdreg $0xFFFFFFFF  }
0xc9: {  	_ =	task.clear_ibuf [dreg:s8], $0x2FFFF;
	_ =	strace $0x9FFFFFFF  }
0xca: {  	(tm) =	ssettm $0x7FFFFFFF  }
0xcb: {  	_ =	shalt  }
tec
execute0_lowered:
.L_overlay_start_1:
0x0: {  	(tag) =	ssettag $0x1  }
0x1: {  	s1 =	rddreg [dreg:$0x0]  }
0x2: {  	s3 =	rddreg [dreg:$0x1]  }
0x3: {  	s7 =	rddreg [dreg:$0x2]  }
0x4: {  	s4 =	rddreg [dreg:$0x3];
	s0 =	stileid.u32  }
0x5: {  	s6 =	srdreg.scid;
	s2 =	rddreg [dreg:$0x4];
	s5 =	simm.s32 $0x0  }
0x6: {  	s16 =	simm.s32 $0x2800;
	s17 =	simm.s32 $0x1;
	s18 =	simm.s32 $0x6800  }
0x7: {  	s19 =	simm.s32 $0x2;
	s20 =	simm.s32 $0x100;
	s8 =	smul.u32 $0x13C00, s0  }
0x8: {  	s21 =	simm.s32 $0x1480;
	s22 =	simm.s32 $0x0;
	s12 =	smul.u32 $0x28, s0  }
0x9: {  	s9 =	sand.u32 $0x1, s6;
	[smem:$0x7FF] =	sst s5;
	s14 =	smul.u32 $0x4F000, s0  }
0xa: {  	s6 =	sadd.s32 $0x2A000, s7;
	s31 =	sshll.u32 s0, $0x6;
	s11 =	smul.u32 $0x13C000, s9  }
0xb: {  	_ =	strace $0x8000004D;
	s28 =	ssub.s32 $0x2, s9;
	p0 =	seq.s32 s9, $0x1  }
0xc: {  	s9 =	sor.u32 $0x1C03, s31;
	s10 =	sshrl.u32 s8, $0x3;
	s13 =	sshrl.u32 s28, $0x1  }
0xd: {  	s29 =	sshrl.u32 s14, $0x2;
	s14 =	simm.s32 $0x1400;
	s8 =	sadd.s32 s8, s11  }
.Ltmp0:
0xe: {  	s10 =	sadd.s32 s10, s7;
	s8 =	sshrl.u32 s8, $0x3;
	(pc) =	sbr.rel .LBB2_1-.Ltmp0, $4  }
0xf: {  	s11 =	ssub.s32 s28, s13;
	s15 =	sadd.s32 s8, s7;
	s8 =	smul.u32 $0x78, s0  }
0x10: {  	s30 =	sadd.s32 s29, s4;
	s13 =	simm.s32 $0x3;
	s7 =	sadd.s32 $0x780, s12  }
0x11: {  	s11 =	smax.u32 s11, $0x1;
	s12 =	sshrl.u32 s30, $0x3;
	s7 =	smov.u32 @p0 s8  }
0x12: {  	s8 =	sadd.s32 $0x2800, s10;
	s10 =	sadd.s32 $0x51800, s15;
	s15 =	simm.s32 $0x80  }
.LBB2_6:
0x13: {  	s22 =	sadd.s32 $0x1, s22  }
0x14: {  	p1 =	sne.s32 s22, s11  }
.Ltmp1:
0x15: {  	[bflag:$0x0] =	sbarrier.arrive $0xFFFF;
	(pc) =	sbr.rel @!p1 .LBB2_7-.Ltmp1, $4  }
0x16: {  	[hbm:s10], [sflag:s9] =	dma.local [spmem:s12], $0x2780  }
0x17: {  	_ =	swait.ge [sflag:s13], $0x2780  }
0x18: {  	[sflag:s13] =	ssyncset.done $0x0  }
0x19: {  	[sflag:s13] =	ssyncadd.s32 $0xFFFFD880  }
.LBB2_1:
0x1a: {  	[spmem:s12], [sflag:s9] =	dma.local [hbm:s8], $0x2780  }
.Ltmp2:
0x1b: {  	_ =	swait.ge [sflag:s13], $0x2780;
	(pc) =	sbr.rel .LBB2_2-.Ltmp2, $4  }
0x1c: {  	[sflag:s13] =	ssyncset.done $0x0  }
0x1d: {  	[sflag:s13] =	ssyncadd.s32 $0xFFFFD880  }
0x1e: {  	[bflag:$0x0] =	sbarrier.arrive $0xFFFF  }
0x1f: {  	s23 =	simm.s32 $0x0  }
.LBB2_5:
0x20: {  	p1 =	slt.u32 s23, $0x2  }
0x21: {  	p1 =	por !p0, !p1  }
0x22: {  	p1 =	por !p1, !p1  }
.Ltmp3:
0x23: {  	_ = 	snop;
	(pc) =	sbr.rel @!p1 .LBB2_6-.Ltmp3, $4  }
0x24: {  	[spmem:s4] =	stream.indirect.scatter.add.f32 [tilespmem:s18], [sflag:$0x2], $0x80, s26, s15, $0xb8;
	[tilespmem:$0x1E400] =	vst v63  }
0x25: {  	_ =	swait.ge [sflag:s19], $0x4000  }
0x26: {  	[sflag:s19] =	ssyncset.done $0x0  }
0x27: {  	s23 =	sadd.s32 $0x1, s23;
	[sflag:s19] =	ssyncadd.s32 $0xFFFFC000  }
.LBB2_2:
0x28: {  	s24 =	smul.u32 $0x28, s23;
	_ =	sdelay $0x1  }
0x29: {  	s24 =	sadd.s32 s7, s24  }
0x2a: {  	s24 =	sshll.u32 s24, $0x4  }
0x2b: {  	s25 =	sadd.s32 s1, s24  }
0x2c: {  	[tilespmem:s5], [sflag:$0x3] =	stream.linear.gather [hbm4b:s25+s5], $0x1400, $0x38;
	[tilespmem:$0x1E400] =	vst v63  }
0x2d: {  	_ =	swait.ge [sflag:s13], $0x1400  }
0x2e: {  	[sflag:s13] =	ssyncset.done $0x0  }
0x2f: {  	s24 =	sadd.s32 s3, s24;
	[sflag:s13] =	ssyncadd.s32 $0xFFFFEC00  }
0x30: {  	[tilespmem:s14], [sflag:$0x3] =	stream.linear.gather [hbm4b:s24+s5], $0x1400, $0x38;
	[tilespmem:$0x1E400] =	vst v63  }
0x31: {  	_ =	swait.ge [sflag:s13], $0x1400  }
0x32: {  	[sflag:s13] =	ssyncset.done $0x0  }
0x33: {  	[sflag:s13] =	ssyncadd.s32 $0xFFFFEC00  }
0x34: {  	[tilespmem:s16], [sflag:$0x1] =	stream.indirect.gather [hbm4b:s6+s15], $0x80, s5, s15, $0xb8;
	[tilespmem:$0x1E400] =	vst v63  }
0x35: {  	_ =	swait.ge [sflag:s17], $0x4000  }
0x36: {  	[sflag:s17] =	ssyncset.done $0x0  }
0x37: {  	[sflag:s17] =	ssyncadd.s32 $0xFFFFC000  }
0x38: {  	[tilespmem:s18], [sflag:$0x1] =	stream.indirect.gather [hbm4b:s6+s15], $0x80, s15, s15, $0xb8;
	[tilespmem:$0x1E400] =	vst v63  }
0x39: {  	_ = 	snop  }
0x3a: {  	[spmem:s4] =	stream.indirect.scatter.add.f32 [tilespmem:s16], [sflag:$0x2], $0x80, s14, s15, $0xb8;
	[tilespmem:$0x1E400] =	vst v63  }
0x3b: {  	_ =	swait.ge [sflag:s17], $0x4000  }
0x3c: {  	[sflag:s17] =	ssyncset.done $0x0  }
0x3d: {  	[sflag:s17] =	ssyncadd.s32 $0xFFFFC000  }
0x3e: {  	_ =	swait.ge [sflag:s19], $0x4000  }
0x3f: {  	[sflag:s19] =	ssyncset.done $0x0  }
0x40: {  	[sflag:s19] =	ssyncadd.s32 $0xFFFFC000  }
0x41: {  	[tilespmem:s16], [sflag:$0x1] =	stream.indirect.gather [hbm4b:s6+s15], $0x80, s20, s15, $0xb8;
	[tilespmem:$0x1E400] =	vst v63  }
0x42: {  	s24 =	simm.s32 $0xFFFFB800  }
0x43: {  	[spmem:s4] =	stream.indirect.scatter.add.f32 [tilespmem:s18], [sflag:$0x2], $0x80, s21, s15, $0xb8;
	[tilespmem:$0x1E400] =	vst v63  }
.LBB2_3:
0x44: {  	_ =	swait.ge [sflag:s17], $0x4000  }
0x45: {  	[sflag:s17] =	ssyncset.done $0x0  }
0x46: {  	[sflag:s17] =	ssyncadd.s32 $0xFFFFC000  }
0x47: {  	_ =	swait.ge [sflag:s19], $0x4000  }
0x48: {  	s25 =	sshra.s32 s24, $0x2;
	[sflag:s19] =	ssyncset.done $0x0  }
0x49: {  	s26 =	sadd.s32 $0x1380, s25;
	[sflag:s19] =	ssyncadd.s32 $0xFFFFC000  }
0x4a: {  	[tilespmem:s18], [sflag:$0x1] =	stream.indirect.gather [hbm4b:s6+s15], $0x80, s26, s15, $0xb8;
	[tilespmem:$0x1E400] =	vst v63  }
0x4b: {  	s31 =	sadd.s32 $0x2700, s25  }
0x4c: {  	[spmem:s4] =	stream.indirect.scatter.add.f32 [tilespmem:s16], [sflag:$0x2], $0x80, s31, s15, $0xb8;
	[tilespmem:$0x1E400] =	vst v63  }
0x4d: {  	p1 =	seq.s32 s24, $0x0;
	_ =	swait.ge [sflag:s17], $0x4000  }
.Ltmp4:
0x4e: {  	[sflag:s17] =	ssyncset.done $0x0;
	(pc) =	sbr.rel @p1 .LBB2_5-.Ltmp4, $4  }
0x4f: {  	[sflag:s17] =	ssyncadd.s32 $0xFFFFC000  }
0x50: {  	_ =	swait.ge [sflag:s19], $0x4000  }
0x51: {  	[sflag:s19] =	ssyncset.done $0x0  }
0x52: {  	s26 =	sadd.s32 $0x2780, s25;
	[sflag:s19] =	ssyncadd.s32 $0xFFFFC000  }
.Ltmp5:
0x53: {  	(pc) =	sbr.rel .LBB2_3-.Ltmp5, $4  }
0x54: {  	s25 =	sadd.s32 $0x1400, s25  }
0x55: {  	[tilespmem:s16], [sflag:$0x1] =	stream.indirect.gather [hbm4b:s6+s15], $0x80, s25, s15, $0xb8;
	[tilespmem:$0x1E400] =	vst v63  }
0x56: {  	s24 =	sadd.s32 $0x400, s24  }
0x57: {  	[spmem:s4] =	stream.indirect.scatter.add.f32 [tilespmem:s18], [sflag:$0x2], $0x80, s26, s15, $0xb8;
	[tilespmem:$0x1E400] =	vst v63  }
.LBB2_7:
0x58: {  	_ =	sfence.sel $0x180000  }
0x59: {  	[bflag:$0x0] =	sbarrier.arrive $0xFFFF  }
0x5a: {  	p0 =	sne.s32 s0, $0x0;
	_ =	strace $0x9000004D  }
0x5b: {  	s0 =	sadd.s32 @!p0 $0x100000, s2;
	[bflag:$0x2] =	sbarrier.arrive $0xFFFF  }
0x5c: {  	[sflag:s0] =	ssyncadd.tile.s32 @!p0 $0x1;
	_ =	shalt  }
.Lfunc_end2:
_tile_overlayer_lowered:
.L_overlay_start_2:
0x5d: {  	(tag) =	ssettag $0x2  }
0x5e: {  	s0 =	rddreg [dreg:$0x0];
	s2 =	stileid.u32  }
0x5f: {  	s1 =	rddreg [dreg:$0x1];
	p0 =	sne.s32 s2, $0x0  }
0x60: {  	s3 =	rddreg [dreg:$0x2];
	[bflag:$0x3] =	sbarrier.arrive $0xFFFF;
	s2 =	simm.s32 @!p0 $0x1C03  }
0x61: {  	[timem:s3], [sflag:s2] =	dma.local @!p0 [hbm:s0], s1  }
0x62: {  	s0 =	simm.s32 @!p0 $0x3  }
0x63: {  	_ =	swait.ge @!p0 [sflag:s0], s1  }
0x64: {  	s1 =	ssub.s32 @!p0 $0x0, s1;
	[sflag:s0] =	ssyncset.done @!p0 $0x0  }
0x65: {  	[sflag:s0] =	ssyncadd.s32 @!p0 s1  }
0x66: {  	[bflag:$0x3] =	sbarrier.arrive $0xFFFF  }
0x67: {  	_ =	shalt  }

// kernel: kernel.8.cloned.1.call-start
scs
__scs_entry_jumppad:
0x0: {  	(pc) =	sbr.rel $0x88, $3  }
0x1: {  	(tag) =	ssettag $0x0;
	lr =	simm.s32 $0x1  }
0x2: {  	[smem:$0x3F99] =	sst lr;
	_ =	strace $0xD0000000  }
0x3: {  	_ = 	snop  }
0x4: {  	_ = 	snop  }
0x5: {  	_ = 	snop  }
0x6: {  	_ = 	snop  }
0x7: {  	_ = 	snop  }
__scs_overlays_trampoline_lowered:
0x8: {  	[smem:$0x3FA8] =	sst s0  }
0x9: {  	[smem:$0x3FA9] =	sst s1  }
0xa: {  	[smem:$0x3FAA] =	sst s2  }
0xb: {  	[smem:$0x3FAB] =	sst s3  }
0xc: {  	[smem:$0x3FAC] =	sst s4  }
0xd: {  	[smem:$0x3FAD] =	sst s5  }
0xe: {  	[smem:$0x3FAE] =	sst s6  }
0xf: {  	[smem:$0x3FAF] =	sst s7  }
0x10: {  	[smem:$0x3FB0] =	sst s8  }
0x11: {  	[smem:$0x3FB1] =	sst s9;
	s0 =	simm.s32 @!p0 $0x0  }
0x12: {  	s1 =	sld [smem:$0x3F97];
	s0 =	simm.s32 @p0 $0x1  }
0x13: {  	[smem:$0x3FB2] =	sst s0;
	s0 =	simm.s32 @!p1 $0x0  }
0x14: {  	s2 =	sld [smem:$0x3F96];
	s0 =	simm.s32 @p1 $0x1  }
0x15: {  	[smem:$0x3FB3] =	sst s0;
	s0 =	simm.s32 @!p2 $0x0  }
0x16: {  	s3 =	sld [smem:$0x3FDB];
	s0 =	simm.s32 @p2 $0x1  }
0x17: {  	s4 =	simm.s32 $0x1BF5;
	[smem:$0x3FB5] =	sst s0  }
0x18: {  	s0 =	sld [smem:$0x3F98];
	_ =	swait.ge [sflag:s4], $0x0  }
0x19: {  	s7 =	sld [smem:$0x3F99]  }
0x1a: {  	s8 =	sadd.s32 $0xFFFFE003, lr  }
0x1b: {  	s9 =	sadd.s32 $0xFFFFFEF7, lr;
	s5 =	simm.s32 $0xFFFFFFFF;
	p2 =	slt.u32 s8, $0xFFFFF086  }
0x1c: {  	p1 =	slt.u32 s9, $0xF7A;
	s5 =	simm.s32 @!p2 $0x0  }
0x1d: {  	s5 =	simm.s32 @p1 $0x1;
	p0 =	seq.s32 s7, s2  }
0x1e: {  	s7 =	smul.u32 @!p0 $0xF7A, s2;
	p2 =	seq.s32 @!p0 s5, $0x0  }
0x1f: {  	s9 =	smul.u32 $0xF7A, s1;
	s8 =	simm.s32 @!p0 $0x1BF5;
	p2 =	por !p2, p0  }
0x20: {  	[sflag:s8] =	ssyncset.s32 @!p0 $0xFFFFF086;
	s6 =	sadd.s32 @!p0 s3, s7;
	s7 =	simm.s32 @!p0 $0x108  }
0x21: {  	s3 =	sadd.s32 s3, s9;
	s6 =	sadd.s32 @!p0 $0x88, s6;
	s7 =	simm.s32 @p2 $0x1082  }
0x22: {  	[simem:s7], [sflag:s8] =	dma.local @!p0 [hbm:s6], $0xF7A  }
0x23: {  	s9 =	sor.u32 $0xD0000000, s2;
	s6 =	simm.s32 $0x108;
	_ =	swait.ge @!p0 [sflag:s8], $0x0  }
0x24: {  	s3 =	sadd.s32 $0x88, s3;
	s6 =	simm.s32 @!p1 $0x1082;
	[sflag:s4] =	ssyncset.s32 $0xFFFFF086  }
0x25: {  	[simem:s6], [sflag:s4] =	dma.local [hbm:s3], $0xF7A  }
0x26: {  	[smem:$0x3F99] =	sst s1;
	(tag) =	ssettag s2;
	_ =	strace s9  }
0x27: {  	s1 =	sld [smem:$0x3FA9]  }
0x28: {  	s2 =	sld [smem:$0x3FAA]  }
0x29: {  	s4 =	sld [smem:$0x3FAC]  }
0x2a: {  	p0 =	seq.s32 s5, $0x0;
	s5 =	sld [smem:$0x3FAD]  }
0x2b: {  	s6 =	sld [smem:$0x3FAE]  }
0x2c: {  	s7 =	sld [smem:$0x3FAF]  }
0x2d: {  	s3 =	simm.s32 $0x108;
	s8 =	sld [smem:$0x3FB0]  }
0x2e: {  	s3 =	simm.s32 @!p0 $0x1082;
	s9 =	sld [smem:$0x3FB1]  }
0x2f: {  	lr =	sadd.s32 s0, s3;
	s0 =	sld [smem:$0x3FA8]  }
0x30: {  	s3 =	sld [smem:$0x3FAB]  }
0x31: {  	[smem:$0x3FB4] =	sst s10  }
0x32: {  	s10 =	sld [smem:$0x3FB2];
	_ =	sdelay $0x3  }
0x33: {  	p0 =	seq.s32 s10, $0x1;
	s10 =	sld [smem:$0x3FB4];
	_ =	sdelay $0x3  }
0x34: {  	[smem:$0x3FB4] =	sst s10  }
0x35: {  	s10 =	sld [smem:$0x3FB3];
	_ =	sdelay $0x3  }
0x36: {  	p1 =	seq.s32 s10, $0x1;
	s10 =	sld [smem:$0x3FB4];
	_ =	sdelay $0x3  }
0x37: {  	[smem:$0x3FB4] =	sst s10  }
0x38: {  	s10 =	sld [smem:$0x3FB5]  }
0x39: {  	_ = 	snop;
	(pc) =	sbr.ind lr, $3  }
0x3a: {  	_ = 	snop  }
0x3b: {  	_ = 	snop  }
0x3c: {  	p2 =	seq.s32 s10, $0x1;
	s10 =	sld [smem:$0x3FB4]  }
0x3d: {  	_ =	shalt  }
0x3e: {  	_ =	shalt  }
0x3f: {  	_ =	shalt  }
0x40: {  	_ =	shalt  }
0x41: {  	_ =	shalt  }
0x42: {  	_ =	shalt  }
0x43: {  	_ =	shalt  }
0x44: {  	_ =	shalt  }
0x45: {  	_ =	shalt  }
0x46: {  	_ =	shalt  }
0x47: {  	_ =	shalt  }
0x48: {  	_ =	shalt  }
0x49: {  	_ =	shalt  }
0x4a: {  	_ =	shalt  }
0x4b: {  	_ =	shalt  }
0x4c: {  	_ =	shalt  }
0x4d: {  	_ =	shalt  }
0x4e: {  	_ =	shalt  }
0x4f: {  	_ =	shalt  }
0x50: {  	_ =	shalt  }
0x51: {  	_ =	shalt  }
0x52: {  	_ =	shalt  }
0x53: {  	_ =	shalt  }
0x54: {  	_ =	shalt  }
0x55: {  	_ =	shalt  }
0x56: {  	_ =	shalt  }
0x57: {  	_ =	shalt  }
0x58: {  	_ =	shalt  }
0x59: {  	_ =	shalt  }
0x5a: {  	_ =	shalt  }
0x5b: {  	_ =	shalt  }
0x5c: {  	_ =	shalt  }
0x5d: {  	_ =	shalt  }
0x5e: {  	_ =	shalt  }
0x5f: {  	_ =	shalt  }
0x60: {  	_ =	shalt  }
0x61: {  	_ =	shalt  }
0x62: {  	_ =	shalt  }
0x63: {  	_ =	shalt  }
0x64: {  	_ =	shalt  }
0x65: {  	_ =	shalt  }
0x66: {  	_ =	shalt  }
0x67: {  	_ =	shalt  }
0x68: {  	_ =	shalt  }
0x69: {  	_ =	shalt  }
0x6a: {  	_ =	shalt  }
0x6b: {  	_ =	shalt  }
0x6c: {  	_ =	shalt  }
0x6d: {  	_ =	shalt  }
0x6e: {  	_ =	shalt  }
0x6f: {  	_ =	shalt  }
0x70: {  	_ =	shalt  }
0x71: {  	_ =	shalt  }
0x72: {  	_ =	shalt  }
0x73: {  	_ =	shalt  }
0x74: {  	_ =	shalt  }
0x75: {  	_ =	shalt  }
0x76: {  	_ =	shalt  }
0x77: {  	_ =	shalt  }
0x78: {  	_ =	shalt  }
0x79: {  	_ =	shalt  }
0x7a: {  	_ =	shalt  }
0x7b: {  	_ =	shalt  }
0x7c: {  	_ =	shalt  }
0x7d: {  	_ =	shalt  }
0x7e: {  	_ =	shalt  }
0x7f: {  	_ =	shalt  }
0x80: {  	_ =	shalt  }
0x81: {  	_ =	shalt  }
0x82: {  	_ =	shalt  }
0x83: {  	_ =	shalt  }
0x84: {  	_ =	shalt  }
0x85: {  	_ =	shalt  }
0x86: {  	_ =	shalt  }
0x87: {  	_ =	shalt  }
.Lfunc_end0:
.L_simem_size_0:
called_computation_lowered:
.L_overlay_start_0:
0x88: {  	s2 =	sld [smem:$0x3FD9]  }
0x89: {  	s3 =	sld [smem:$0x3FFE];
	_ =	sdelay $0x1  }
0x8a: {  	s1 =	srdreg.scid  }
0x8b: {  	s0 =	sand.u32 $0x1, s1  }
0x8c: {  	s14 =	sshll.u32 s0, $0xA;
	s2 =	sadd.s32 s3, s2  }
0x8d: {  	s2 =	sadd.s32 s2, s14  }
0x8e: {  	[smem:$0x3FC0] =	sst s2  }
0x8f: {  	_ = 	snop  }
0x90: {  	s2 =	sld [smem:$0x3FD0];
	_ =	sdelay $0x2  }
0x91: {  	s15 =	simm.s32 $0xA;
	s4 =	simm.s32 $0x10  }
0x92: {  	[smem:s4], [sflag:s15] =	dma.local [hbm:s2], $0x1  }
0x93: {  	_ =	swait.eq [sflag:s15], $0x1  }
0x94: {  	[sflag:s15] =	ssyncset.done $0x0  }
0x95: {  	[sflag:s15] =	ssyncadd.s32 $0xFFFFFFFF  }
0x96: {  	s16 =	sld [smem:$0x11];
	(tm) =	ssettm $0x1  }
0x97: {  	s17 =	sld [smem:$0x3FFB];
	_ =	sdelay $0x3  }
0x98: {  	_ =	strace s17  }
0x99: {  	s3 =	sld [smem:$0x3FFC];
	_ =	sdelay $0x3  }
0x9a: {  	_ =	strace s3  }
0x9b: {  	s3 =	sld [smem:$0x3FFD];
	_ =	sdelay $0x3  }
0x9c: {  	_ =	strace s3  }
0x9d: {  	_ =	strace $0x8FFFFFFF  }
0x9e: {  	s18 =	sld [smem:$0x3FDB];
	_ =	sdelay $0x1  }
0x9f: {  	s19 =	simm.s32 $_scs_section_size  }
0xa0: {  	s5 =	simm.s32 $_size__tile_overlayer_lowered;
	s6 =	simm.s32 $_tile_overlayer_lowered  }
0xa1: {  	s22 =	simm.s32 $0x1BFF;
	s21 =	sshll.u32 s6, $0x1;
	s3 =	sadd.s32 s19, s18  }
0xa2: {  	s7 =	simm.s32 $0x0;
	s20 =	sshll.u32 s5, $0x1;
	s5 =	sadd.s32 s21, s3  }
0xa3: {  	[timem:s7], [sflag:s22] =	dma.local [hbm:s5], s20  }
0xa4: {  	_ =	swait.ge [sflag:s22], s20  }
0xa5: {  	s4 =	ssub.s32 $0x0, s20;
	[sflag:s22] =	ssyncset.done $0x0  }
0xa6: {  	[sflag:s22] =	ssyncadd.s32 s4;
	_ =	sdelay $0x1  }
0xa7: {  	s23 =	simm.s32 $0x1B8B  }
0xa8: {  	_ =	swait.ge [sflag:s23], $0x1  }
0xa9: {  	[sflag:s23] =	ssyncset.done $0x0  }
0xaa: {  	s25 =	simm.s32 $0x1B8E;
	s24 =	sld [smem:$0x3FFE];
	[sflag:s23] =	ssyncadd.s32 $0xFFFFFFFF  }
0xab: {  	s26 =	simm.s32 $execute0_lowered;
	[smem:$0x3FD2] =	sst s25  }
0xac: {  	s5 =	sshll.u32 s26, $0x1;
	_ =	strace $0x80000046;
	[dreg:$0x1] =	wrdreg $0xFFFFFFFF  }
0xad: {  	s28 =	simm.s32 $_size_execute0_lowered;
	s3 =	sadd.s32 s3, s5;
	[dreg:$0x0] =	wrdreg $0x0  }
0xae: {  	s5 =	sshll.u32 s28, $0x1;
	[dreg:$0x2] =	wrdreg s3  }
0xaf: {  	[dreg:$0x3] =	wrdreg s5  }
0xb0: {  	[dreg:$0x4] =	wrdreg $0xC0  }
0xb1: {  	_ =	task [dreg:s7], $0x5FFFF  }
0xb2: {  	[dreg:$0x1] =	wrdreg $0xFFFFFFFF  }
0xb3: {  	[dreg:$0x0] =	wrdreg $0x60  }
0xb4: {  	[dreg:$0x2] =	wrdreg s16  }
0xb5: {  	[dreg:$0x3] =	wrdreg s24  }
0xb6: {  	[dreg:$0x4] =	wrdreg $0x68000  }
0xb7: {  	[dreg:$0x5] =	wrdreg $0x9  }
0xb8: {  	_ =	task.clear_ibuf [dreg:s7], $0x6FFFF;
	_ =	strace $0x90000046  }
0xb9: {  	s29 =	simm.s32 $0x9;
	_ =	strace $0x80000048  }
0xba: {  	_ =	swait.ge [sflag:s29], $0x1  }
0xbb: {  	[sflag:s29] =	ssyncadd.s32 $0xFFFFFFFF  }
0xbc: {  	_ =	strace $0x90000048  }
0xbd: {  	_ =	sfence  }
0xbe: {  	s30 =	sld [smem:$0x0];
	_ =	sdelay $0x2  }
0xbf: {  	s31 =	sshll.u32 s1, $0xD;
	s1 =	sshrl.u32 s1, $0x2  }
0xc0: {  	s3 =	sand.u32 $0x4000, s31;
	s1 =	sadd.s32 s1, s30  }
0xc1: {  	s0 =	sor.u32 s3, s0;
	s1 =	sshll.u32 s1, $0x11  }
0xc2: {  	s0 =	sor.u32 s1, s0  }
0xc3: {  	s0 =	sadd.s32 $0x8F2B, s0  }
0xc4: {  	[sflag:s0] =	ssyncadd.remote.s32 $0x1  }
0xc5: {  	_ =	sfence.sel $0xFFFF  }
0xc6: {  	[dreg:$0x0] =	wrdreg $0xFFFFFFFF;
	(pc) =	sbr.abs _section_cstart, $3  }
0xc7: {  	[dreg:$0x1] =	wrdreg $0xFFFFFFFF  }
0xc8: {  	_ =	task.clear_ibuf [dreg:s7], $0x2FFFF;
	_ =	strace $0x9FFFFFFF  }
0xc9: {  	(tm) =	ssettm $0x7FFFFFFF  }
tec
execute0_lowered:
.L_overlay_start_1:
0x0: {  	(tag) =	ssettag $0x1  }
0x1: {  	s7 =	rddreg [dreg:$0x0]  }
0x2: {  	s5 =	rddreg [dreg:$0x1]  }
0x3: {  	s2 =	rddreg [dreg:$0x2]  }
0x4: {  	s0 =	rddreg [dreg:$0x3]  }
0x5: {  	s1 =	stileid.u32;
	s4 =	srdreg.scid  }
0x6: {  	s3 =	simm.s32 $0x0;
	s15 =	simm.s32 $0x0;
	s6 =	smul.u32 $0x13C00, s1  }
0x7: {  	s8 =	sand.u32 $0x1, s4;
	[smem:$0x7FF] =	sst s3;
	s4 =	sadd.s32 $0x2A000, s5  }
0x8: {  	s12 =	smul.u32 $0x4F000, s1;
	s13 =	sshll.u32 s1, $0x1;
	s30 =	sshll.u32 s1, $0x6  }
0x9: {  	s9 =	smul.u32 $0x13C000, s8;
	_ =	strace $0x80000047;
	s26 =	ssub.s32 $0x2, s8  }
0xa: {  	s28 =	sor.u32 s8, s13;
	s13 =	simm.s32 $0x80;
	s10 =	sshrl.u32 s6, $0x3  }
0xb: {  	s11 =	sshrl.u32 s26, $0x1;
	s29 =	sshrl.u32 s12, $0x2;
	s31 =	smul.u32 $0x500, s28  }
0xc: {  	s6 =	sadd.s32 s6, s9;
	s25 =	sadd.s32 s10, s5;
	s10 =	ssub.s32 s26, s11  }
0xd: {  	s12 =	sadd.s32 s29, s2;
	s11 =	simm.s32 $0x2;
	s6 =	sshrl.u32 s6, $0x3  }
0xe: {  	s7 =	sadd.s32 s7, s31;
	s9 =	smax.u32 s10, $0x1;
	s10 =	sshrl.u32 s12, $0x3  }
0xf: {  	s12 =	simm.s32 $0x2800;
	s14 =	sadd.s32 s6, s5;
	s5 =	sadd.s32 $0x2800, s25  }
0x10: {  	s6 =	sor.u32 $0x1C02, s30;
	s8 =	sadd.s32 $0x2A800, s14;
	s14 =	simm.s32 $0x1  }
.LBB2_1:
0x11: {  	[spmem:s10], [sflag:s6] =	dma.local [hbm:s5], $0x2780  }
0x12: {  	_ =	swait.ge [sflag:s11], $0x2780  }
0x13: {  	[sflag:s11] =	ssyncset.done $0x0  }
0x14: {  	[sflag:s11] =	ssyncadd.s32 $0xFFFFD880  }
0x15: {  	[tilespmem:s3], [sflag:$0x2] =	stream.linear.gather [hbm4b:s7+s3], $0x2800, $0x38;
	[tilespmem:$0x1A400] =	vst v63  }
0x16: {  	_ =	swait.ge [sflag:s11], $0x2800  }
0x17: {  	[sflag:s11] =	ssyncset.done $0x0  }
0x18: {  	[sflag:s11] =	ssyncadd.s32 $0xFFFFD800  }
0x19: {  	[tilespmem:s12], [sflag:$0x2] =	stream.linear.gather [hbm4b:s4+s3], $0x4000, $0x38;
	[tilespmem:$0x1A400] =	vst v63  }
0x1a: {  	_ =	swait.ge [sflag:s11], $0x4000  }
0x1b: {  	[sflag:s11] =	ssyncset.done $0x0  }
0x1c: {  	[sflag:s11] =	ssyncadd.s32 $0xFFFFC000  }
0x1d: {  	s16 =	simm.s32 $0x0;
	[bflag:$0x0] =	sbarrier.arrive $0xFFFF  }
0x1e: {  	[spmem:s2] =	stream.indirect.scatter.add.f32 [tilespmem:s12], [sflag:$0x1], $0x80, s16, s13, $0xb8;
	[tilespmem:$0x1A400] =	vst v63  }
0x1f: {  	s24 =	simm.s32 $0x80  }
0x20: {  	[spmem:s2] =	stream.indirect.scatter.add.f32 [tilespmem:s12], [sflag:$0x1], $0x80, s24, s13, $0xb8;
	[tilespmem:$0x1A400] =	vst v63  }
0x21: {  	s25 =	simm.s32 $0x100  }
0x22: {  	[spmem:s2] =	stream.indirect.scatter.add.f32 [tilespmem:s12], [sflag:$0x1], $0x80, s25, s13, $0xb8;
	[tilespmem:$0x1A400] =	vst v63  }
0x23: {  	s26 =	simm.s32 $0x180  }
0x24: {  	[spmem:s2] =	stream.indirect.scatter.add.f32 [tilespmem:s12], [sflag:$0x1], $0x80, s26, s13, $0xb8;
	[tilespmem:$0x1A400] =	vst v63  }
0x25: {  	s28 =	simm.s32 $0x200  }
0x26: {  	[spmem:s2] =	stream.indirect.scatter.add.f32 [tilespmem:s12], [sflag:$0x1], $0x80, s28, s13, $0xb8;
	[tilespmem:$0x1A400] =	vst v63  }
0x27: {  	s29 =	simm.s32 $0x280  }
0x28: {  	[spmem:s2] =	stream.indirect.scatter.add.f32 [tilespmem:s12], [sflag:$0x1], $0x80, s29, s13, $0xb8;
	[tilespmem:$0x1A400] =	vst v63  }
0x29: {  	s30 =	simm.s32 $0x300  }
0x2a: {  	[spmem:s2] =	stream.indirect.scatter.add.f32 [tilespmem:s12], [sflag:$0x1], $0x80, s30, s13, $0xb8;
	[tilespmem:$0x1A400] =	vst v63  }
0x2b: {  	s31 =	simm.s32 $0x380  }
0x2c: {  	[spmem:s2] =	stream.indirect.scatter.add.f32 [tilespmem:s12], [sflag:$0x1], $0x80, s31, s13, $0xb8;
	[tilespmem:$0x1A400] =	vst v63  }
0x2d: {  	_ =	swait.ge [sflag:s14], $0x4000  }
0x2e: {  	[sflag:s14] =	ssyncset.done $0x0  }
0x2f: {  	[sflag:s14] =	ssyncadd.s32 $0xFFFFC000  }
0x30: {  	_ =	swait.ge [sflag:s14], $0x4000  }
0x31: {  	[sflag:s14] =	ssyncset.done $0x0  }
0x32: {  	[sflag:s14] =	ssyncadd.s32 $0xFFFFC000  }
0x33: {  	_ =	swait.ge [sflag:s14], $0x4000  }
0x34: {  	[sflag:s14] =	ssyncset.done $0x0  }
0x35: {  	[sflag:s14] =	ssyncadd.s32 $0xFFFFC000  }
0x36: {  	_ =	swait.ge [sflag:s14], $0x4000  }
0x37: {  	[sflag:s14] =	ssyncset.done $0x0  }
0x38: {  	[sflag:s14] =	ssyncadd.s32 $0xFFFFC000  }
0x39: {  	_ =	swait.ge [sflag:s14], $0x4000  }
0x3a: {  	[sflag:s14] =	ssyncset.done $0x0  }
0x3b: {  	[sflag:s14] =	ssyncadd.s32 $0xFFFFC000  }
0x3c: {  	_ =	swait.ge [sflag:s14], $0x4000  }
0x3d: {  	[sflag:s14] =	ssyncset.done $0x0  }
0x3e: {  	[sflag:s14] =	ssyncadd.s32 $0xFFFFC000  }
0x3f: {  	_ =	swait.ge [sflag:s14], $0x4000  }
0x40: {  	[sflag:s14] =	ssyncset.done $0x0  }
0x41: {  	[sflag:s14] =	ssyncadd.s32 $0xFFFFC000  }
0x42: {  	_ =	swait.ge [sflag:s14], $0x4000  }
0x43: {  	s18 =	simm.s32 $0x2000;
	s16 =	simm.s32 $0x1000;
	[sflag:s14] =	ssyncset.done $0x0  }
.LBB2_2:
0x44: {  	s19 =	sshra.s32 s16, $0x2  }
0x45: {  	[sflag:s14] =	ssyncadd.s32 $0xFFFFC000;
	s16 =	smov.u32 s18;
	s17 =	sadd.s32 $0x1000, s18  }
0x46: {  	[spmem:s2] =	stream.indirect.scatter.add.f32 [tilespmem:s12], [sflag:$0x1], $0x80, s19, s13, $0xb8;
	[tilespmem:$0x1A400] =	vst v63  }
0x47: {  	p0 =	sne.s32 s18, $0x9000;
	s18 =	sadd.s32 $0x80, s19  }
0x48: {  	[spmem:s2] =	stream.indirect.scatter.add.f32 [tilespmem:s12], [sflag:$0x1], $0x80, s18, s13, $0xb8;
	[tilespmem:$0x1A400] =	vst v63  }
0x49: {  	s18 =	sadd.s32 $0x100, s19  }
0x4a: {  	[spmem:s2] =	stream.indirect.scatter.add.f32 [tilespmem:s12], [sflag:$0x1], $0x80, s18, s13, $0xb8;
	[tilespmem:$0x1A400] =	vst v63  }
0x4b: {  	s18 =	sadd.s32 $0x180, s19  }
0x4c: {  	[spmem:s2] =	stream.indirect.scatter.add.f32 [tilespmem:s12], [sflag:$0x1], $0x80, s18, s13, $0xb8;
	[tilespmem:$0x1A400] =	vst v63  }
0x4d: {  	s18 =	sadd.s32 $0x200, s19  }
0x4e: {  	[spmem:s2] =	stream.indirect.scatter.add.f32 [tilespmem:s12], [sflag:$0x1], $0x80, s18, s13, $0xb8;
	[tilespmem:$0x1A400] =	vst v63  }
0x4f: {  	s18 =	sadd.s32 $0x280, s19  }
0x50: {  	[spmem:s2] =	stream.indirect.scatter.add.f32 [tilespmem:s12], [sflag:$0x1], $0x80, s18, s13, $0xb8;
	[tilespmem:$0x1A400] =	vst v63  }
0x51: {  	s18 =	sadd.s32 $0x300, s19  }
0x52: {  	[spmem:s2] =	stream.indirect.scatter.add.f32 [tilespmem:s12], [sflag:$0x1], $0x80, s18, s13, $0xb8;
	[tilespmem:$0x1A400] =	vst v63  }
0x53: {  	s18 =	sadd.s32 $0x380, s19  }
0x54: {  	[spmem:s2] =	stream.indirect.scatter.add.f32 [tilespmem:s12], [sflag:$0x1], $0x80, s18, s13, $0xb8;
	[tilespmem:$0x1A400] =	vst v63  }
0x55: {  	_ =	swait.ge [sflag:s14], $0x4000  }
0x56: {  	[sflag:s14] =	ssyncset.done $0x0  }
0x57: {  	[sflag:s14] =	ssyncadd.s32 $0xFFFFC000  }
0x58: {  	_ =	swait.ge [sflag:s14], $0x4000  }
0x59: {  	[sflag:s14] =	ssyncset.done $0x0  }
0x5a: {  	[sflag:s14] =	ssyncadd.s32 $0xFFFFC000  }
0x5b: {  	_ =	swait.ge [sflag:s14], $0x4000  }
0x5c: {  	[sflag:s14] =	ssyncset.done $0x0  }
0x5d: {  	[sflag:s14] =	ssyncadd.s32 $0xFFFFC000  }
0x5e: {  	_ =	swait.ge [sflag:s14], $0x4000  }
0x5f: {  	[sflag:s14] =	ssyncset.done $0x0  }
0x60: {  	[sflag:s14] =	ssyncadd.s32 $0xFFFFC000  }
0x61: {  	_ =	swait.ge [sflag:s14], $0x4000  }
0x62: {  	[sflag:s14] =	ssyncset.done $0x0  }
0x63: {  	[sflag:s14] =	ssyncadd.s32 $0xFFFFC000  }
0x64: {  	_ =	swait.ge [sflag:s14], $0x4000  }
0x65: {  	[sflag:s14] =	ssyncset.done $0x0  }
0x66: {  	[sflag:s14] =	ssyncadd.s32 $0xFFFFC000  }
.Ltmp0:
0x67: {  	_ =	swait.ge [sflag:s14], $0x4000;
	(pc) =	sbr.rel @p0 .LBB2_2-.Ltmp0, $4  }
0x68: {  	[sflag:s14] =	ssyncset.done $0x0  }
0x69: {  	[sflag:s14] =	ssyncadd.s32 $0xFFFFC000  }
0x6a: {  	_ =	swait.ge [sflag:s14], $0x4000  }
0x6b: {  	s18 =	smov.u32 s17;
	[sflag:s14] =	ssyncset.done $0x0  }
0x6c: {  	s16 =	sshra.s32 s16, $0x2;
	[sflag:s14] =	ssyncadd.s32 $0xFFFFC000  }
0x6d: {  	[spmem:s2] =	stream.indirect.scatter.add.f32 [tilespmem:s12], [sflag:$0x1], $0x80, s16, s13, $0xb8;
	[tilespmem:$0x1A400] =	vst v63  }
0x6e: {  	s17 =	sadd.s32 $0x80, s16  }
0x6f: {  	[spmem:s2] =	stream.indirect.scatter.add.f32 [tilespmem:s12], [sflag:$0x1], $0x80, s17, s13, $0xb8;
	[tilespmem:$0x1A400] =	vst v63  }
0x70: {  	s26 =	sadd.s32 $0x100, s16  }
0x71: {  	[spmem:s2] =	stream.indirect.scatter.add.f32 [tilespmem:s12], [sflag:$0x1], $0x80, s26, s13, $0xb8;
	[tilespmem:$0x1A400] =	vst v63  }
0x72: {  	s28 =	sadd.s32 $0x180, s16  }
0x73: {  	[spmem:s2] =	stream.indirect.scatter.add.f32 [tilespmem:s12], [sflag:$0x1], $0x80, s28, s13, $0xb8;
	[tilespmem:$0x1A400] =	vst v63  }
0x74: {  	s29 =	sadd.s32 $0x200, s16  }
0x75: {  	[spmem:s2] =	stream.indirect.scatter.add.f32 [tilespmem:s12], [sflag:$0x1], $0x80, s29, s13, $0xb8;
	[tilespmem:$0x1A400] =	vst v63  }
0x76: {  	s30 =	sadd.s32 $0x280, s16  }
0x77: {  	[spmem:s2] =	stream.indirect.scatter.add.f32 [tilespmem:s12], [sflag:$0x1], $0x80, s30, s13, $0xb8;
	[tilespmem:$0x1A400] =	vst v63  }
0x78: {  	s31 =	sadd.s32 $0x300, s16  }
0x79: {  	[spmem:s2] =	stream.indirect.scatter.add.f32 [tilespmem:s12], [sflag:$0x1], $0x80, s31, s13, $0xb8;
	[tilespmem:$0x1A400] =	vst v63  }
0x7a: {  	s16 =	sadd.s32 $0x380, s16  }
0x7b: {  	[spmem:s2] =	stream.indirect.scatter.add.f32 [tilespmem:s12], [sflag:$0x1], $0x80, s16, s13, $0xb8;
	[tilespmem:$0x1A400] =	vst v63  }
0x7c: {  	_ =	swait.ge [sflag:s14], $0x4000  }
0x7d: {  	[sflag:s14] =	ssyncset.done $0x0  }
0x7e: {  	[sflag:s14] =	ssyncadd.s32 $0xFFFFC000  }
0x7f: {  	_ =	swait.ge [sflag:s14], $0x4000  }
0x80: {  	[sflag:s14] =	ssyncset.done $0x0  }
0x81: {  	[sflag:s14] =	ssyncadd.s32 $0xFFFFC000  }
0x82: {  	_ =	swait.ge [sflag:s14], $0x4000  }
0x83: {  	[sflag:s14] =	ssyncset.done $0x0  }
0x84: {  	[sflag:s14] =	ssyncadd.s32 $0xFFFFC000  }
0x85: {  	_ =	swait.ge [sflag:s14], $0x4000  }
0x86: {  	[sflag:s14] =	ssyncset.done $0x0  }
0x87: {  	[sflag:s14] =	ssyncadd.s32 $0xFFFFC000  }
0x88: {  	_ =	swait.ge [sflag:s14], $0x4000  }
0x89: {  	[sflag:s14] =	ssyncset.done $0x0  }
0x8a: {  	[sflag:s14] =	ssyncadd.s32 $0xFFFFC000  }
0x8b: {  	_ =	swait.ge [sflag:s14], $0x4000  }
0x8c: {  	[sflag:s14] =	ssyncset.done $0x0  }
0x8d: {  	[sflag:s14] =	ssyncadd.s32 $0xFFFFC000  }
0x8e: {  	_ =	swait.ge [sflag:s14], $0x4000  }
0x8f: {  	[sflag:s14] =	ssyncset.done $0x0  }
0x90: {  	[sflag:s14] =	ssyncadd.s32 $0xFFFFC000  }
0x91: {  	_ =	swait.ge [sflag:s14], $0x4000  }
0x92: {  	s15 =	sadd.s32 $0x1, s15;
	[sflag:s14] =	ssyncset.done $0x0  }
0x93: {  	p0 =	sne.s32 s15, s9;
	[sflag:s14] =	ssyncadd.s32 $0xFFFFC000  }
.Ltmp1:
0x94: {  	[bflag:$0x0] =	sbarrier.arrive $0xFFFF;
	(pc) =	sbr.rel @p0 .LBB2_1-.Ltmp1, $4  }
0x95: {  	[hbm:s8], [sflag:s6] =	dma.local [spmem:s10], $0x2780  }
0x96: {  	_ =	swait.ge [sflag:s11], $0x2780  }
0x97: {  	[sflag:s11] =	ssyncset.done $0x0  }
0x98: {  	[sflag:s11] =	ssyncadd.s32 $0xFFFFD880  }
0x99: {  	_ =	sfence.sel $0x180000  }
0x9a: {  	[bflag:$0x0] =	sbarrier.arrive $0xFFFF  }
0x9b: {  	p0 =	sne.s32 s1, $0x0;
	_ =	strace $0x90000047  }
0x9c: {  	s0 =	sadd.s32 @!p0 $0x100000, s0;
	[bflag:$0x2] =	sbarrier.arrive $0xFFFF  }
0x9d: {  	[sflag:s0] =	ssyncadd.tile.s32 @!p0 $0x1;
	_ =	shalt  }
.Lfunc_end2:
_tile_overlayer_lowered:
.L_overlay_start_2:
0x9e: {  	(tag) =	ssettag $0x2  }
0x9f: {  	s0 =	rddreg [dreg:$0x0];
	s2 =	stileid.u32  }
0xa0: {  	s1 =	rddreg [dreg:$0x1];
	p0 =	sne.s32 s2, $0x0  }
0xa1: {  	s3 =	rddreg [dreg:$0x2];
	[bflag:$0x3] =	sbarrier.arrive $0xFFFF;
	s2 =	simm.s32 @!p0 $0x1C02  }
0xa2: {  	[timem:s3], [sflag:s2] =	dma.local @!p0 [hbm:s0], s1  }
0xa3: {  	s0 =	simm.s32 @!p0 $0x2  }
0xa4: {  	_ =	swait.ge @!p0 [sflag:s0], s1  }
0xa5: {  	s1 =	ssub.s32 @!p0 $0x0, s1;
	[sflag:s0] =	ssyncset.done @!p0 $0x0  }
0xa6: {  	[sflag:s0] =	ssyncadd.s32 @!p0 s1  }
0xa7: {  	[bflag:$0x3] =	sbarrier.arrive $0xFFFF  }
0xa8: {  	_ =	shalt  }

</sc_bundles>
